<compile_context>
chip_gen: v7x
topology: tpu7x:2x2x1
jax: 0.10.2.dev20260603
libtpu: 0.0.44.dev20260713+nightly
codegen_flags: <defaults>
</compile_context>

<pallas_src>
import functools

import jax
import jax.numpy as jnp
from jax import lax
from jax.experimental import pallas as pl
from jax.experimental.pallas import tpu as pltpu
from jax.experimental.pallas import tpu_sc as plsc

_NC = 2
_NS = 16
_NW = _NC * _NS
_CH = 128
_VC = 32768
_HC = _VC // 2
_BT = 1024


def _repack_body(tT, out):
    x = tT[...]
    x2 = jnp.concatenate([x[:, :_HC], x[:, _HC:]], axis=0)
    out[...] = jnp.transpose(x2)


def _repack(tableT, V, D):
    nb = pl.cdiv(V, _VC)
    return pl.pallas_call(
        _repack_body,
        grid=(nb,),
        in_specs=[pl.BlockSpec((D, _VC), lambda i: (0, i))],
        out_specs=pl.BlockSpec((_HC, 2 * D), lambda i: (i, 0)),
        out_shape=jax.ShapeDtypeStruct((nb * _HC, 2 * D), jnp.float32),
        compiler_params=pltpu.CompilerParams(
            dimension_semantics=("parallel",)),
    )(tableT)


def _sc_gather(emb2, idlists, D):
    W = 2 * D
    cpws = [ids.shape[1] for ids in idlists]
    buf_rows = 640

    mesh = plsc.VectorSubcoreMesh(core_axis_name="c", subcore_axis_name="s")

    @functools.partial(
        pl.kernel,
        mesh=mesh,
        out_type=[
            jax.ShapeDtypeStruct((_NW * cpw * _CH, W), jnp.float32)
            for cpw in cpws
        ],
        scratch_types=[
            *[pltpu.VMEM((cpw, _CH), jnp.int32) for cpw in cpws],
            pltpu.VMEM((buf_rows, W), jnp.float32),
            pltpu.SemaphoreType.DMA,
        ],
    )
    def gather(emb, *refs):
        ids_refs = refs[:len(cpws)]
        out_refs = refs[len(cpws):2 * len(cpws)]
        idx_vs = refs[2 * len(cpws):3 * len(cpws)]
        rows_v = refs[3 * len(cpws)]
        sem = refs[3 * len(cpws) + 1]
        w = lax.axis_index("s") * _NC + lax.axis_index("c")
        for ids, out, idx_v, cpw in zip(ids_refs, out_refs, idx_vs, cpws):
            pltpu.sync_copy(ids.at[w], idx_v)
            nsc = -(-cpw * _CH // buf_rows)
            npsc = cpw // nsc
            for s in range(nsc):
                hs = [pltpu.async_copy(emb.at[idx_v.at[s * npsc + j]],
                                       rows_v.at[pl.ds(j * _CH, _CH)], sem)
                      for j in range(npsc)]
                for h in hs:
                    h.wait()
                rows = npsc * _CH
                pltpu.sync_copy(
                    rows_v.at[pl.ds(0, rows)],
                    out.at[pl.ds(w * cpw * _CH + s * rows, rows)])

    return gather(emb2, *idlists)


def _selu(v):
    return 1.0507009873554805 * jnp.where(
        v > 0, v, 1.6732632423543772 * (jnp.exp(v) - 1.0))


def _softplus(z):
    return jnp.maximum(z, 0.0) + jnp.log(1.0 + jnp.exp(-jnp.abs(z)))


def _half(rows, m, D):
    return jnp.where(m > 0.5, rows[:, D:], rows[:, :D])


def _tc_loss_body(K, D, cr, xr, nr, cm, xm, nm, wc, bc, wx, bx, out):
    i = pl.program_id(0)
    bt = cr.shape[0]
    dn = (((1,), (1,)), ((), ()))
    c = _selu(lax.dot_general(_half(cr[...], cm[...], D), wc[...], dn,
                              preferred_element_type=jnp.float32) + bc[...])
    x = _selu(lax.dot_general(_half(xr[...], xm[...], D), wx[...], dn,
                              preferred_element_type=jnp.float32) + bx[...])
    n = _selu(lax.dot_general(_half(nr[...], nm[...], D), wx[...], dn,
                              preferred_element_type=jnp.float32) + bx[...])
    pos = jnp.sum(c * x, axis=1, keepdims=True)
    pos = jnp.clip(pos, -10.0, 10.0)
    total = jnp.sum(_softplus(-pos))
    for k in range(K):
        nk = n[k * bt:(k + 1) * bt, :]
        neg = jnp.sum(nk * c, axis=1, keepdims=True)
        neg = jnp.clip(neg, -10.0, 10.0)
        total += jnp.sum(_softplus(neg))

    @pl.when(i == 0)
    def _():
        out[0, 0] = 0.0

    out[0, 0] += total


def _tc_loss(crows, xrows, nrows, cm, xm, nm, wc, bc, wx, bx, B, K, D):
    grid = (B // _BT,)
    return pl.pallas_call(
        functools.partial(_tc_loss_body, K, D),
        grid=grid,
        in_specs=[
            pl.BlockSpec((_BT, 2 * D), lambda i: (i, 0)),
            pl.BlockSpec((_BT, 2 * D), lambda i: (i, 0)),
            pl.BlockSpec((_BT * K, 2 * D), lambda i: (i, 0)),
            pl.BlockSpec((_BT, 1), lambda i: (i, 0)),
            pl.BlockSpec((_BT, 1), lambda i: (i, 0)),
            pl.BlockSpec((_BT * K, 1), lambda i: (i, 0)),
            pl.BlockSpec((D, D), lambda i: (0, 0)),
            pl.BlockSpec((1, D), lambda i: (0, 0)),
            pl.BlockSpec((D, D), lambda i: (0, 0)),
            pl.BlockSpec((1, D), lambda i: (0, 0)),
        ],
        out_specs=pl.BlockSpec((1, 1), lambda i: (0, 0),
                               memory_space=pltpu.SMEM),
        out_shape=jax.ShapeDtypeStruct((1, 1), jnp.float32),
        compiler_params=pltpu.CompilerParams(
            dimension_semantics=("arbitrary",)),
    )(crows, xrows, nrows, cm, xm, nm, wc, bc, wx, bx)


def _slice_ids(ids):
    pid = (ids // _VC) * _HC + (ids & (_HC - 1))
    m = ((ids // _HC) & 1).astype(jnp.float32)
    return pid, m


def kernel(center_ids, context_ids, neg_context_ids, center_emb, context_emb,
           W_center, b_center, W_context, b_context):
    B = center_ids.shape[0]
    K = neg_context_ids.shape[1]
    V, D = center_emb.shape
    cids = center_ids.astype(jnp.int32)
    xids = context_ids.astype(jnp.int32)
    nids = (neg_context_ids.astype(jnp.int32)
            .reshape(B // _BT, _BT, K).transpose(0, 2, 1).reshape(B * K))
    cpid, cm = _slice_ids(cids)
    xpid, xm = _slice_ids(xids)
    npid, nm = _slice_ids(nids)
    cpw = B // _NW // _CH
    npw = B * K // _NW // _CH
    xemb2 = _repack(context_emb.T, V, D)
    xrows, nrows = _sc_gather(
        xemb2,
        [xpid.reshape(_NW, cpw, _CH), npid.reshape(_NW, npw, _CH)], D)
    cemb2 = _repack(center_emb.T, V, D)
    (crows,) = _sc_gather(cemb2, [cpid.reshape(_NW, cpw, _CH)], D)
    total = _tc_loss(crows, xrows, nrows,
                     cm.reshape(B, 1), xm.reshape(B, 1),
                     nm.reshape(B * K, 1),
                     W_center, b_center.reshape(1, D),
                     W_context, b_context.reshape(1, D), B, K, D)
    return total[0, 0] / B

# --- scband reference (transcript-rebuilt; emitter-appended) ---
"""Pipeline reference for scband-skip-gram-negative-sampling-66357244723668 (READ-ONLY COPY).

The authoritative reference and input builder live on the scoring server;
editing this copy changes nothing except your own understanding.
"""

import jax, jax.numpy as jnp
import numpy as np

V = 1000000
D = 64
B = 16384
K = 5


def setup_inputs(seed: int = 0) -> dict:
    key = jax.random.key(seed)
    ks = jax.random.split(key, 6)
    init_range = 1.0 / D
    center_emb = jax.random.uniform(ks[0], (V, D), minval=-init_range, maxval=init_range, dtype=jnp.float32)
    # torch init is zeros for context table; use small uniform so outputs/grads are non-degenerate
    context_emb = jax.random.uniform(ks[1], (V, D), minval=-init_range, maxval=init_range, dtype=jnp.float32)
    # decoder linears: eye weight, zero bias (per nn.init.eye_ / zeros_)
    W_center = jnp.eye(D, dtype=jnp.float32)
    b_center = jnp.zeros((D,), dtype=jnp.float32)
    W_context = jnp.eye(D, dtype=jnp.float32)
    b_context = jnp.zeros((D,), dtype=jnp.float32)
    center_ids = jax.random.randint(ks[2], (B,), 0, V, dtype=jnp.int64) if jax.config.jax_enable_x64 else jax.random.randint(ks[2], (B,), 0, V).astype(jnp.int32)
    context_ids = jax.random.randint(ks[3], (B,), 0, V).astype(center_ids.dtype)
    neg_context_ids = jax.random.randint(ks[4], (B, K), 0, V).astype(center_ids.dtype)
    return {
        'center_ids': center_ids,
        'context_ids': context_ids,
        'neg_context_ids': neg_context_ids,
        'center_emb': center_emb,
        'context_emb': context_emb,
        'W_center': W_center,
        'b_center': b_center,
        'W_context': W_context,
        'b_context': b_context,
    }


def reference(center_ids, context_ids, neg_context_ids, center_emb, context_emb, W_center, b_center, W_context, b_context):
    # embedding lookups (gather)
    center_vectors = jnp.take(center_emb, center_ids, axis=0)            # [B, D]
    context_vectors = jnp.take(context_emb, context_ids, axis=0)         # [B, D]
    neg_context_vectors = jnp.take(context_emb, neg_context_ids, axis=0) # [B, K, D]
    # decoders: Linear + SELU
    center_vectors = jax.nn.selu(center_vectors @ W_center.T + b_center)
    context_vectors = jax.nn.selu(context_vectors @ W_context.T + b_context)
    neg_context_vectors = jax.nn.selu(neg_context_vectors @ W_context.T + b_context)
    # positive score
    score = jnp.sum(center_vectors * context_vectors, axis=1)
    score = jnp.clip(score, -10.0, 10.0)
    score = -jax.nn.log_sigmoid(score)
    # negative score: bmm([B,K,D], [B,D,1]) -> [B,K]
    neg_score = jnp.einsum('bkd,bd->bk', neg_context_vectors, center_vectors)
    neg_score = jnp.clip(neg_score, -10.0, 10.0)
    neg_score = -jnp.sum(jax.nn.log_sigmoid(-neg_score), axis=1)
    return jnp.mean(score + neg_score)

if __name__ == "__main__":
    import jax
    _d = setup_inputs()
    print(jax.jit(kernel)(*tuple(_d.values())))

</pallas_src>

<mosaic_0001>
#map = affine_map<(d0, d1) -> (0, 0)>
#map1 = affine_map<(d0, d1) -> (0, 0, 0)>
module attributes {stable_mosaic.version = 14 : i64} {
  func.func @gather(%arg0: i32, %arg1: i32, %arg2: memref<507904x128xf32, #tpu.memory_space<hbm>>, %arg3: memref<32x4x128xi32, #tpu.memory_space<hbm>>, %arg4: memref<32x20x128xi32, #tpu.memory_space<hbm>>, %arg5: memref<16384x128xf32, #tpu.memory_space<hbm>>, %arg6: memref<81920x128xf32, #tpu.memory_space<hbm>>, %arg7: memref<4x128xi32, #tpu.memory_space<vmem>>, %arg8: memref<20x128xi32, #tpu.memory_space<vmem>>, %arg9: memref<640x128xf32, #tpu.memory_space<vmem>>, %arg10: memref<!tpu.dma_semaphore, #tpu.memory_space<semaphore_mem>>) attributes {dimension_semantics = [#tpu.dimension_semantics<core_parallel>, #tpu.dimension_semantics<subcore_parallel>], iteration_bounds = array<i64: 2, 16>, scalar_prefetch = 0 : i64, scratch_operands = 4 : i64, tpu.core_type = #tpu.core_type<sc_vector_subcore>, window_params = [{transform_indices = #map}, {transform_indices = #map1}, {transform_indices = #map1}, {transform_indices = #map}, {transform_indices = #map}]} {
    %mul3A = arith.constant 2 : i32
    %mul3A_0 = arith.muli %arg1, %mul3A : i32
    %add3A = arith.addi %mul3A_0, %arg0 : i32
    "tpu.region"() ({
      %run_scoped3A = tpu.sem_alloc : memref<!tpu.dma_semaphore, #tpu.memory_space<semaphore_mem>>
      %dma_start3A_509 = arith.constant 0 : i32
      %dma_start3A_510 = arith.constant 0 : i32
      %dma_start3A_511 = tpu.memref_slice %arg3[%add3A, %dma_start3A_509, %dma_start3A_510] : memref<32x4x128xi32, #tpu.memory_space<hbm>> -> memref<1x4x128xi32, #tpu.memory_space<hbm>>
      %dma_start3A_512 = tpu.memref_squeeze %dma_start3A_511 : memref<1x4x128xi32, #tpu.memory_space<hbm>> -> memref<4x128xi32, #tpu.memory_space<hbm>>
      %dma_start3A_513 = arith.constant 0 : i32
      %dma_start3A_514 = arith.constant 0 : i32
      %dma_start3A_515 = tpu.memref_slice %arg3[%add3A, %dma_start3A_513, %dma_start3A_514] : memref<32x4x128xi32, #tpu.memory_space<hbm>> -> memref<1x4x128xi32, #tpu.memory_space<hbm>>
      %dma_start3A_516 = tpu.memref_squeeze %dma_start3A_515 : memref<1x4x128xi32, #tpu.memory_space<hbm>> -> memref<4x128xi32, #tpu.memory_space<hbm>>
      tpu.enqueue_dma source(%dma_start3A_516 : memref<4x128xi32, #tpu.memory_space<hbm>>) target(%arg7 : memref<4x128xi32, #tpu.memory_space<vmem>>) target_semaphore(%run_scoped3A : memref<!tpu.dma_semaphore, #tpu.memory_space<semaphore_mem>>)
      %dma_wait3A_517 = arith.constant 0 : i32
      %dma_wait3A_518 = arith.constant 0 : i32
      %dma_wait3A_519 = tpu.memref_slice %arg3[%add3A, %dma_wait3A_517, %dma_wait3A_518] : memref<32x4x128xi32, #tpu.memory_space<hbm>> -> memref<1x4x128xi32, #tpu.memory_space<hbm>>
      %dma_wait3A_520 = tpu.memref_squeeze %dma_wait3A_519 : memref<1x4x128xi32, #tpu.memory_space<hbm>> -> memref<4x128xi32, #tpu.memory_space<hbm>>
      %dma_wait3A_521 = arith.constant 0 : i32
      %dma_wait3A_522 = arith.constant 0 : i32
      %dma_wait3A_523 = tpu.memref_slice %arg3[%add3A, %dma_wait3A_521, %dma_wait3A_522] : memref<32x4x128xi32, #tpu.memory_space<hbm>> -> memref<1x4x128xi32, #tpu.memory_space<hbm>>
      %dma_wait3A_524 = tpu.memref_squeeze %dma_wait3A_523 : memref<1x4x128xi32, #tpu.memory_space<hbm>> -> memref<4x128xi32, #tpu.memory_space<hbm>>
      tpu.wait_dma2 semaphore(%run_scoped3A : memref<!tpu.dma_semaphore, #tpu.memory_space<semaphore_mem>>) src(%dma_wait3A_524 : memref<4x128xi32, #tpu.memory_space<hbm>>) dst(%arg7 : memref<4x128xi32, #tpu.memory_space<vmem>>)
      tpu.yield
    }) : () -> ()
    %dma_start3A = arith.constant 0 : i32
    %dma_start3A_1 = arith.constant 0 : i32
    %dma_start3A_2 = arith.constant 0 : i32
    %dma_start3A_3 = tpu.memref_slice %arg9[%dma_start3A_1, %dma_start3A_2] : memref<640x128xf32, #tpu.memory_space<vmem>> -> memref<128x128xf32, #tpu.memory_space<vmem>>
    %dma_start3A_4 = arith.constant 0 : i32
    %dma_start3A_5 = tpu.memref_slice %arg7[%dma_start3A, %dma_start3A_4] : memref<4x128xi32, #tpu.memory_space<vmem>> -> memref<1x128xi32, #tpu.memory_space<vmem>>
    %dma_start3A_6 = tpu.memref_squeeze %dma_start3A_5 : memref<1x128xi32, #tpu.memory_space<vmem>> -> memref<128xi32, #tpu.memory_space<vmem>>
    %dma_start3A_7 = arith.constant 0 : i32
    %dma_start3A_8 = arith.constant 0 : i32
    %dma_start3A_9 = tpu.memref_slice %arg2[%dma_start3A_7, %dma_start3A_8] : memref<507904x128xf32, #tpu.memory_space<hbm>> -> memref<507904x128xf32, #tpu.memory_space<hbm>>
    tpu.enqueue_indirect_dma source(%dma_start3A_9 : memref<507904x128xf32, #tpu.memory_space<hbm>>) target(%dma_start3A_3 : memref<128x128xf32, #tpu.memory_space<vmem>>) offsets(%dma_start3A_6 : memref<128xi32, #tpu.memory_space<vmem>>) semaphore(%arg10 : memref<!tpu.dma_semaphore, #tpu.memory_space<semaphore_mem>>)
    %dma_start3A_10 = arith.constant 1 : i32
    %dma_start3A_11 = arith.constant 128 : i32
    %dma_start3A_12 = arith.constant 0 : i32
    %dma_start3A_13 = tpu.memref_slice %arg9[%dma_start3A_11, %dma_start3A_12] : memref<640x128xf32, #tpu.memory_space<vmem>> -> memref<128x128xf32, #tpu.memory_space<vmem>>
    %dma_start3A_14 = arith.constant 0 : i32
    %dma_start3A_15 = tpu.memref_slice %arg7[%dma_start3A_10, %dma_start3A_14] : memref<4x128xi32, #tpu.memory_space<vmem>> -> memref<1x128xi32, #tpu.memory_space<vmem>>
    %dma_start3A_16 = tpu.memref_squeeze %dma_start3A_15 : memref<1x128xi32, #tpu.memory_space<vmem>> -> memref<128xi32, #tpu.memory_space<vmem>>
    %dma_start3A_17 = arith.constant 0 : i32
    %dma_start3A_18 = arith.constant 0 : i32
    %dma_start3A_19 = tpu.memref_slice %arg2[%dma_start3A_17, %dma_start3A_18] : memref<507904x128xf32, #tpu.memory_space<hbm>> -> memref<507904x128xf32, #tpu.memory_space<hbm>>
    tpu.enqueue_indirect_dma source(%dma_start3A_19 : memref<507904x128xf32, #tpu.memory_space<hbm>>) target(%dma_start3A_13 : memref<128x128xf32, #tpu.memory_space<vmem>>) offsets(%dma_start3A_16 : memref<128xi32, #tpu.memory_space<vmem>>) semaphore(%arg10 : memref<!tpu.dma_semaphore, #tpu.memory_space<semaphore_mem>>)
    %dma_start3A_20 = arith.constant 2 : i32
    %dma_start3A_21 = arith.constant 256 : i32
    %dma_start3A_22 = arith.constant 0 : i32
    %dma_start3A_23 = tpu.memref_slice %arg9[%dma_start3A_21, %dma_start3A_22] : memref<640x128xf32, #tpu.memory_space<vmem>> -> memref<128x128xf32, #tpu.memory_space<vmem>>
    %dma_start3A_24 = arith.constant 0 : i32
    %dma_start3A_25 = tpu.memref_slice %arg7[%dma_start3A_20, %dma_start3A_24] : memref<4x128xi32, #tpu.memory_space<vmem>> -> memref<1x128xi32, #tpu.memory_space<vmem>>
    %dma_start3A_26 = tpu.memref_squeeze %dma_start3A_25 : memref<1x128xi32, #tpu.memory_space<vmem>> -> memref<128xi32, #tpu.memory_space<vmem>>
    %dma_start3A_27 = arith.constant 0 : i32
    %dma_start3A_28 = arith.constant 0 : i32
    %dma_start3A_29 = tpu.memref_slice %arg2[%dma_start3A_27, %dma_start3A_28] : memref<507904x128xf32, #tpu.memory_space<hbm>> -> memref<507904x128xf32, #tpu.memory_space<hbm>>
    tpu.enqueue_indirect_dma source(%dma_start3A_29 : memref<507904x128xf32, #tpu.memory_space<hbm>>) target(%dma_start3A_23 : memref<128x128xf32, #tpu.memory_space<vmem>>) offsets(%dma_start3A_26 : memref<128xi32, #tpu.memory_space<vmem>>) semaphore(%arg10 : memref<!tpu.dma_semaphore, #tpu.memory_space<semaphore_mem>>)
    %dma_start3A_30 = arith.constant 3 : i32
    %dma_start3A_31 = arith.constant 384 : i32
    %dma_start3A_32 = arith.constant 0 : i32
    %dma_start3A_33 = tpu.memref_slice %arg9[%dma_start3A_31, %dma_start3A_32] : memref<640x128xf32, #tpu.memory_space<vmem>> -> memref<128x128xf32, #tpu.memory_space<vmem>>
    %dma_start3A_34 = arith.constant 0 : i32
    %dma_start3A_35 = tpu.memref_slice %arg7[%dma_start3A_30, %dma_start3A_34] : memref<4x128xi32, #tpu.memory_space<vmem>> -> memref<1x128xi32, #tpu.memory_space<vmem>>
    %dma_start3A_36 = tpu.memref_squeeze %dma_start3A_35 : memref<1x128xi32, #tpu.memory_space<vmem>> -> memref<128xi32, #tpu.memory_space<vmem>>
    %dma_start3A_37 = arith.constant 0 : i32
    %dma_start3A_38 = arith.constant 0 : i32
    %dma_start3A_39 = tpu.memref_slice %arg2[%dma_start3A_37, %dma_start3A_38] : memref<507904x128xf32, #tpu.memory_space<hbm>> -> memref<507904x128xf32, #tpu.memory_space<hbm>>
    tpu.enqueue_indirect_dma source(%dma_start3A_39 : memref<507904x128xf32, #tpu.memory_space<hbm>>) target(%dma_start3A_33 : memref<128x128xf32, #tpu.memory_space<vmem>>) offsets(%dma_start3A_36 : memref<128xi32, #tpu.memory_space<vmem>>) semaphore(%arg10 : memref<!tpu.dma_semaphore, #tpu.memory_space<semaphore_mem>>)
    %dma_wait3A = arith.constant 0 : i32
    %dma_wait3A_40 = arith.constant 0 : i32
    %dma_wait3A_41 = arith.constant 0 : i32
    %dma_wait3A_42 = tpu.memref_slice %arg9[%dma_wait3A_40, %dma_wait3A_41] : memref<640x128xf32, #tpu.memory_space<vmem>> -> memref<128x128xf32, #tpu.memory_space<vmem>>
    %dma_wait3A_43 = arith.constant 0 : i32
    %dma_wait3A_44 = tpu.memref_slice %arg7[%dma_wait3A, %dma_wait3A_43] : memref<4x128xi32, #tpu.memory_space<vmem>> -> memref<1x128xi32, #tpu.memory_space<vmem>>
    %dma_wait3A_45 = tpu.memref_squeeze %dma_wait3A_44 : memref<1x128xi32, #tpu.memory_space<vmem>> -> memref<128xi32, #tpu.memory_space<vmem>>
    %dma_wait3A_46 = arith.constant 0 : i32
    %dma_wait3A_47 = arith.constant 0 : i32
    %dma_wait3A_48 = tpu.memref_slice %arg2[%dma_wait3A_46, %dma_wait3A_47] : memref<507904x128xf32, #tpu.memory_space<hbm>> -> memref<507904x128xf32, #tpu.memory_space<hbm>>
    tpu.wait_indirect_dma semaphore(%arg10 : memref<!tpu.dma_semaphore, #tpu.memory_space<semaphore_mem>>) src(%dma_wait3A_48 : memref<507904x128xf32, #tpu.memory_space<hbm>>) dst(%dma_wait3A_42 : memref<128x128xf32, #tpu.memory_space<vmem>>)
    %dma_wait3A_49 = arith.constant 1 : i32
    %dma_wait3A_50 = arith.constant 128 : i32
    %dma_wait3A_51 = arith.constant 0 : i32
    %dma_wait3A_52 = tpu.memref_slice %arg9[%dma_wait3A_50, %dma_wait3A_51] : memref<640x128xf32, #tpu.memory_space<vmem>> -> memref<128x128xf32, #tpu.memory_space<vmem>>
    %dma_wait3A_53 = arith.constant 0 : i32
    %dma_wait3A_54 = tpu.memref_slice %arg7[%dma_wait3A_49, %dma_wait3A_53] : memref<4x128xi32, #tpu.memory_space<vmem>> -> memref<1x128xi32, #tpu.memory_space<vmem>>
    %dma_wait3A_55 = tpu.memref_squeeze %dma_wait3A_54 : memref<1x128xi32, #tpu.memory_space<vmem>> -> memref<128xi32, #tpu.memory_space<vmem>>
    %dma_wait3A_56 = arith.constant 0 : i32
    %dma_wait3A_57 = arith.constant 0 : i32
    %dma_wait3A_58 = tpu.memref_slice %arg2[%dma_wait3A_56, %dma_wait3A_57] : memref<507904x128xf32, #tpu.memory_space<hbm>> -> memref<507904x128xf32, #tpu.memory_space<hbm>>
    tpu.wait_indirect_dma semaphore(%arg10 : memref<!tpu.dma_semaphore, #tpu.memory_space<semaphore_mem>>) src(%dma_wait3A_58 : memref<507904x128xf32, #tpu.memory_space<hbm>>) dst(%dma_wait3A_52 : memref<128x128xf32, #tpu.memory_space<vmem>>)
    %dma_wait3A_59 = arith.constant 2 : i32
    %dma_wait3A_60 = arith.constant 256 : i32
    %dma_wait3A_61 = arith.constant 0 : i32
    %dma_wait3A_62 = tpu.memref_slice %arg9[%dma_wait3A_60, %dma_wait3A_61] : memref<640x128xf32, #tpu.memory_space<vmem>> -> memref<128x128xf32, #tpu.memory_space<vmem>>
    %dma_wait3A_63 = arith.constant 0 : i32
    %dma_wait3A_64 = tpu.memref_slice %arg7[%dma_wait3A_59, %dma_wait3A_63] : memref<4x128xi32, #tpu.memory_space<vmem>> -> memref<1x128xi32, #tpu.memory_space<vmem>>
    %dma_wait3A_65 = tpu.memref_squeeze %dma_wait3A_64 : memref<1x128xi32, #tpu.memory_space<vmem>> -> memref<128xi32, #tpu.memory_space<vmem>>
    %dma_wait3A_66 = arith.constant 0 : i32
    %dma_wait3A_67 = arith.constant 0 : i32
    %dma_wait3A_68 = tpu.memref_slice %arg2[%dma_wait3A_66, %dma_wait3A_67] : memref<507904x128xf32, #tpu.memory_space<hbm>> -> memref<507904x128xf32, #tpu.memory_space<hbm>>
    tpu.wait_indirect_dma semaphore(%arg10 : memref<!tpu.dma_semaphore, #tpu.memory_space<semaphore_mem>>) src(%dma_wait3A_68 : memref<507904x128xf32, #tpu.memory_space<hbm>>) dst(%dma_wait3A_62 : memref<128x128xf32, #tpu.memory_space<vmem>>)
    %dma_wait3A_69 = arith.constant 3 : i32
    %dma_wait3A_70 = arith.constant 384 : i32
    %dma_wait3A_71 = arith.constant 0 : i32
    %dma_wait3A_72 = tpu.memref_slice %arg9[%dma_wait3A_70, %dma_wait3A_71] : memref<640x128xf32, #tpu.memory_space<vmem>> -> memref<128x128xf32, #tpu.memory_space<vmem>>
    %dma_wait3A_73 = arith.constant 0 : i32
    %dma_wait3A_74 = tpu.memref_slice %arg7[%dma_wait3A_69, %dma_wait3A_73] : memref<4x128xi32, #tpu.memory_space<vmem>> -> memref<1x128xi32, #tpu.memory_space<vmem>>
    %dma_wait3A_75 = tpu.memref_squeeze %dma_wait3A_74 : memref<1x128xi32, #tpu.memory_space<vmem>> -> memref<128xi32, #tpu.memory_space<vmem>>
    %dma_wait3A_76 = arith.constant 0 : i32
    %dma_wait3A_77 = arith.constant 0 : i32
    %dma_wait3A_78 = tpu.memref_slice %arg2[%dma_wait3A_76, %dma_wait3A_77] : memref<507904x128xf32, #tpu.memory_space<hbm>> -> memref<507904x128xf32, #tpu.memory_space<hbm>>
    tpu.wait_indirect_dma semaphore(%arg10 : memref<!tpu.dma_semaphore, #tpu.memory_space<semaphore_mem>>) src(%dma_wait3A_78 : memref<507904x128xf32, #tpu.memory_space<hbm>>) dst(%dma_wait3A_72 : memref<128x128xf32, #tpu.memory_space<vmem>>)
    %mul3A_79 = arith.constant 4 : i32
    %mul3A_80 = arith.muli %add3A, %mul3A_79 : i32
    %mul3A_81 = arith.constant 128 : i32
    %mul3A_82 = arith.muli %mul3A_80, %mul3A_81 : i32
    %add3A_83 = arith.constant 0 : i32
    %add3A_84 = arith.addi %mul3A_82, %add3A_83 : i32
    "tpu.region"() ({
      %run_scoped3A = tpu.sem_alloc : memref<!tpu.dma_semaphore, #tpu.memory_space<semaphore_mem>>
      %dma_start3A_509 = arith.constant 0 : i32
      %dma_start3A_510 = arith.constant 0 : i32
      %dma_start3A_511 = tpu.memref_slice %arg9[%dma_start3A_509, %dma_start3A_510] : memref<640x128xf32, #tpu.memory_space<vmem>> -> memref<512x128xf32, #tpu.memory_space<vmem>>
      %dma_start3A_512 = arith.constant 0 : i32
      %dma_start3A_513 = tpu.memref_slice %arg5[%add3A_84, %dma_start3A_512] : memref<16384x128xf32, #tpu.memory_space<hbm>> -> memref<512x128xf32, #tpu.memory_space<hbm>>
      %dma_start3A_514 = arith.constant 0 : i32
      %dma_start3A_515 = tpu.memref_slice %arg5[%add3A_84, %dma_start3A_514] : memref<16384x128xf32, #tpu.memory_space<hbm>> -> memref<512x128xf32, #tpu.memory_space<hbm>>
      %dma_start3A_516 = arith.constant 0 : i32
      %dma_start3A_517 = arith.constant 0 : i32
      %dma_start3A_518 = tpu.memref_slice %arg9[%dma_start3A_516, %dma_start3A_517] : memref<640x128xf32, #tpu.memory_space<vmem>> -> memref<512x128xf32, #tpu.memory_space<vmem>>
      tpu.enqueue_dma source(%dma_start3A_518 : memref<512x128xf32, #tpu.memory_space<vmem>>) target(%dma_start3A_515 : memref<512x128xf32, #tpu.memory_space<hbm>>) target_semaphore(%run_scoped3A : memref<!tpu.dma_semaphore, #tpu.memory_space<semaphore_mem>>)
      %dma_wait3A_519 = arith.constant 0 : i32
      %dma_wait3A_520 = arith.constant 0 : i32
      %dma_wait3A_521 = tpu.memref_slice %arg9[%dma_wait3A_519, %dma_wait3A_520] : memref<640x128xf32, #tpu.memory_space<vmem>> -> memref<512x128xf32, #tpu.memory_space<vmem>>
      %dma_wait3A_522 = arith.constant 0 : i32
      %dma_wait3A_523 = tpu.memref_slice %arg5[%add3A_84, %dma_wait3A_522] : memref<16384x128xf32, #tpu.memory_space<hbm>> -> memref<512x128xf32, #tpu.memory_space<hbm>>
      %dma_wait3A_524 = arith.constant 0 : i32
      %dma_wait3A_525 = tpu.memref_slice %arg5[%add3A_84, %dma_wait3A_524] : memref<16384x128xf32, #tpu.memory_space<hbm>> -> memref<512x128xf32, #tpu.memory_space<hbm>>
      %dma_wait3A_526 = arith.constant 0 : i32
      %dma_wait3A_527 = arith.constant 0 : i32
      %dma_wait3A_528 = tpu.memref_slice %arg9[%dma_wait3A_526, %dma_wait3A_527] : memref<640x128xf32, #tpu.memory_space<vmem>> -> memref<512x128xf32, #tpu.memory_space<vmem>>
      tpu.wait_dma2 semaphore(%run_scoped3A : memref<!tpu.dma_semaphore, #tpu.memory_space<semaphore_mem>>) src(%dma_wait3A_528 : memref<512x128xf32, #tpu.memory_space<vmem>>) dst(%dma_wait3A_525 : memref<512x128xf32, #tpu.memory_space<hbm>>)
      tpu.yield
    }) : () -> ()
    "tpu.region"() ({
      %run_scoped3A = tpu.sem_alloc : memref<!tpu.dma_semaphore, #tpu.memory_space<semaphore_mem>>
      %dma_start3A_509 = arith.constant 0 : i32
      %dma_start3A_510 = arith.constant 0 : i32
      %dma_start3A_511 = tpu.memref_slice %arg4[%add3A, %dma_start3A_509, %dma_start3A_510] : memref<32x20x128xi32, #tpu.memory_space<hbm>> -> memref<1x20x128xi32, #tpu.memory_space<hbm>>
      %dma_start3A_512 = tpu.memref_squeeze %dma_start3A_511 : memref<1x20x128xi32, #tpu.memory_space<hbm>> -> memref<20x128xi32, #tpu.memory_space<hbm>>
      %dma_start3A_513 = arith.constant 0 : i32
      %dma_start3A_514 = arith.constant 0 : i32
      %dma_start3A_515 = tpu.memref_slice %arg4[%add3A, %dma_start3A_513, %dma_start3A_514] : memref<32x20x128xi32, #tpu.memory_space<hbm>> -> memref<1x20x128xi32, #tpu.memory_space<hbm>>
      %dma_start3A_516 = tpu.memref_squeeze %dma_start3A_515 : memref<1x20x128xi32, #tpu.memory_space<hbm>> -> memref<20x128xi32, #tpu.memory_space<hbm>>
      tpu.enqueue_dma source(%dma_start3A_516 : memref<20x128xi32, #tpu.memory_space<hbm>>) target(%arg8 : memref<20x128xi32, #tpu.memory_space<vmem>>) target_semaphore(%run_scoped3A : memref<!tpu.dma_semaphore, #tpu.memory_space<semaphore_mem>>)
      %dma_wait3A_517 = arith.constant 0 : i32
      %dma_wait3A_518 = arith.constant 0 : i32
      %dma_wait3A_519 = tpu.memref_slice %arg4[%add3A, %dma_wait3A_517, %dma_wait3A_518] : memref<32x20x128xi32, #tpu.memory_space<hbm>> -> memref<1x20x128xi32, #tpu.memory_space<hbm>>
      %dma_wait3A_520 = tpu.memref_squeeze %dma_wait3A_519 : memref<1x20x128xi32, #tpu.memory_space<hbm>> -> memref<20x128xi32, #tpu.memory_space<hbm>>
      %dma_wait3A_521 = arith.constant 0 : i32
      %dma_wait3A_522 = arith.constant 0 : i32
      %dma_wait3A_523 = tpu.memref_slice %arg4[%add3A, %dma_wait3A_521, %dma_wait3A_522] : memref<32x20x128xi32, #tpu.memory_space<hbm>> -> memref<1x20x128xi32, #tpu.memory_space<hbm>>
      %dma_wait3A_524 = tpu.memref_squeeze %dma_wait3A_523 : memref<1x20x128xi32, #tpu.memory_space<hbm>> -> memref<20x128xi32, #tpu.memory_space<hbm>>
      tpu.wait_dma2 semaphore(%run_scoped3A : memref<!tpu.dma_semaphore, #tpu.memory_space<semaphore_mem>>) src(%dma_wait3A_524 : memref<20x128xi32, #tpu.memory_space<hbm>>) dst(%arg8 : memref<20x128xi32, #tpu.memory_space<vmem>>)
      tpu.yield
    }) : () -> ()
    %dma_start3A_85 = arith.constant 0 : i32
    %dma_start3A_86 = arith.constant 0 : i32
    %dma_start3A_87 = arith.constant 0 : i32
    %dma_start3A_88 = tpu.memref_slice %arg9[%dma_start3A_86, %dma_start3A_87] : memref<640x128xf32, #tpu.memory_space<vmem>> -> memref<128x128xf32, #tpu.memory_space<vmem>>
    %dma_start3A_89 = arith.constant 0 : i32
    %dma_start3A_90 = tpu.memref_slice %arg8[%dma_start3A_85, %dma_start3A_89] : memref<20x128xi32, #tpu.memory_space<vmem>> -> memref<1x128xi32, #tpu.memory_space<vmem>>
    %dma_start3A_91 = tpu.memref_squeeze %dma_start3A_90 : memref<1x128xi32, #tpu.memory_space<vmem>> -> memref<128xi32, #tpu.memory_space<vmem>>
    %dma_start3A_92 = arith.constant 0 : i32
    %dma_start3A_93 = arith.constant 0 : i32
    %dma_start3A_94 = tpu.memref_slice %arg2[%dma_start3A_92, %dma_start3A_93] : memref<507904x128xf32, #tpu.memory_space<hbm>> -> memref<507904x128xf32, #tpu.memory_space<hbm>>
    tpu.enqueue_indirect_dma source(%dma_start3A_94 : memref<507904x128xf32, #tpu.memory_space<hbm>>) target(%dma_start3A_88 : memref<128x128xf32, #tpu.memory_space<vmem>>) offsets(%dma_start3A_91 : memref<128xi32, #tpu.memory_space<vmem>>) semaphore(%arg10 : memref<!tpu.dma_semaphore, #tpu.memory_space<semaphore_mem>>)
    %dma_start3A_95 = arith.constant 1 : i32
    %dma_start3A_96 = arith.constant 128 : i32
    %dma_start3A_97 = arith.constant 0 : i32
    %dma_start3A_98 = tpu.memref_slice %arg9[%dma_start3A_96, %dma_start3A_97] : memref<640x128xf32, #tpu.memory_space<vmem>> -> memref<128x128xf32, #tpu.memory_space<vmem>>
    %dma_start3A_99 = arith.constant 0 : i32
    %dma_start3A_100 = tpu.memref_slice %arg8[%dma_start3A_95, %dma_start3A_99] : memref<20x128xi32, #tpu.memory_space<vmem>> -> memref<1x128xi32, #tpu.memory_space<vmem>>
    %dma_start3A_101 = tpu.memref_squeeze %dma_start3A_100 : memref<1x128xi32, #tpu.memory_space<vmem>> -> memref<128xi32, #tpu.memory_space<vmem>>
    %dma_start3A_102 = arith.constant 0 : i32
    %dma_start3A_103 = arith.constant 0 : i32
    %dma_start3A_104 = tpu.memref_slice %arg2[%dma_start3A_102, %dma_start3A_103] : memref<507904x128xf32, #tpu.memory_space<hbm>> -> memref<507904x128xf32, #tpu.memory_space<hbm>>
    tpu.enqueue_indirect_dma source(%dma_start3A_104 : memref<507904x128xf32, #tpu.memory_space<hbm>>) target(%dma_start3A_98 : memref<128x128xf32, #tpu.memory_space<vmem>>) offsets(%dma_start3A_101 : memref<128xi32, #tpu.memory_space<vmem>>) semaphore(%arg10 : memref<!tpu.dma_semaphore, #tpu.memory_space<semaphore_mem>>)
    %dma_start3A_105 = arith.constant 2 : i32
    %dma_start3A_106 = arith.constant 256 : i32
    %dma_start3A_107 = arith.constant 0 : i32
    %dma_start3A_108 = tpu.memref_slice %arg9[%dma_start3A_106, %dma_start3A_107] : memref<640x128xf32, #tpu.memory_space<vmem>> -> memref<128x128xf32, #tpu.memory_space<vmem>>
    %dma_start3A_109 = arith.constant 0 : i32
    %dma_start3A_110 = tpu.memref_slice %arg8[%dma_start3A_105, %dma_start3A_109] : memref<20x128xi32, #tpu.memory_space<vmem>> -> memref<1x128xi32, #tpu.memory_space<vmem>>
    %dma_start3A_111 = tpu.memref_squeeze %dma_start3A_110 : memref<1x128xi32, #tpu.memory_space<vmem>> -> memref<128xi32, #tpu.memory_space<vmem>>
    %dma_start3A_112 = arith.constant 0 : i32
    %dma_start3A_113 = arith.constant 0 : i32
    %dma_start3A_114 = tpu.memref_slice %arg2[%dma_start3A_112, %dma_start3A_113] : memref<507904x128xf32, #tpu.memory_space<hbm>> -> memref<507904x128xf32, #tpu.memory_space<hbm>>
    tpu.enqueue_indirect_dma source(%dma_start3A_114 : memref<507904x128xf32, #tpu.memory_space<hbm>>) target(%dma_start3A_108 : memref<128x128xf32, #tpu.memory_space<vmem>>) offsets(%dma_start3A_111 : memref<128xi32, #tpu.memory_space<vmem>>) semaphore(%arg10 : memref<!tpu.dma_semaphore, #tpu.memory_space<semaphore_mem>>)
    %dma_start3A_115 = arith.constant 3 : i32
    %dma_start3A_116 = arith.constant 384 : i32
    %dma_start3A_117 = arith.constant 0 : i32
    %dma_start3A_118 = tpu.memref_slice %arg9[%dma_start3A_116, %dma_start3A_117] : memref<640x128xf32, #tpu.memory_space<vmem>> -> memref<128x128xf32, #tpu.memory_space<vmem>>
    %dma_start3A_119 = arith.constant 0 : i32
    %dma_start3A_120 = tpu.memref_slice %arg8[%dma_start3A_115, %dma_start3A_119] : memref<20x128xi32, #tpu.memory_space<vmem>> -> memref<1x128xi32, #tpu.memory_space<vmem>>
    %dma_start3A_121 = tpu.memref_squeeze %dma_start3A_120 : memref<1x128xi32, #tpu.memory_space<vmem>> -> memref<128xi32, #tpu.memory_space<vmem>>
    %dma_start3A_122 = arith.constant 0 : i32
    %dma_start3A_123 = arith.constant 0 : i32
    %dma_start3A_124 = tpu.memref_slice %arg2[%dma_start3A_122, %dma_start3A_123] : memref<507904x128xf32, #tpu.memory_space<hbm>> -> memref<507904x128xf32, #tpu.memory_space<hbm>>
    tpu.enqueue_indirect_dma source(%dma_start3A_124 : memref<507904x128xf32, #tpu.memory_space<hbm>>) target(%dma_start3A_118 : memref<128x128xf32, #tpu.memory_space<vmem>>) offsets(%dma_start3A_121 : memref<128xi32, #tpu.memory_space<vmem>>) semaphore(%arg10 : memref<!tpu.dma_semaphore, #tpu.memory_space<semaphore_mem>>)
    %dma_start3A_125 = arith.constant 4 : i32
    %dma_start3A_126 = arith.constant 512 : i32
    %dma_start3A_127 = arith.constant 0 : i32
    %dma_start3A_128 = tpu.memref_slice %arg9[%dma_start3A_126, %dma_start3A_127] : memref<640x128xf32, #tpu.memory_space<vmem>> -> memref<128x128xf32, #tpu.memory_space<vmem>>
    %dma_start3A_129 = arith.constant 0 : i32
    %dma_start3A_130 = tpu.memref_slice %arg8[%dma_start3A_125, %dma_start3A_129] : memref<20x128xi32, #tpu.memory_space<vmem>> -> memref<1x128xi32, #tpu.memory_space<vmem>>
    %dma_start3A_131 = tpu.memref_squeeze %dma_start3A_130 : memref<1x128xi32, #tpu.memory_space<vmem>> -> memref<128xi32, #tpu.memory_space<vmem>>
    %dma_start3A_132 = arith.constant 0 : i32
    %dma_start3A_133 = arith.constant 0 : i32
    %dma_start3A_134 = tpu.memref_slice %arg2[%dma_start3A_132, %dma_start3A_133] : memref<507904x128xf32, #tpu.memory_space<hbm>> -> memref<507904x128xf32, #tpu.memory_space<hbm>>
    tpu.enqueue_indirect_dma source(%dma_start3A_134 : memref<507904x128xf32, #tpu.memory_space<hbm>>) target(%dma_start3A_128 : memref<128x128xf32, #tpu.memory_space<vmem>>) offsets(%dma_start3A_131 : memref<128xi32, #tpu.memory_space<vmem>>) semaphore(%arg10 : memref<!tpu.dma_semaphore, #tpu.memory_space<semaphore_mem>>)
    %dma_wait3A_135 = arith.constant 0 : i32
    %dma_wait3A_136 = arith.constant 0 : i32
    %dma_wait3A_137 = arith.constant 0 : i32
    %dma_wait3A_138 = tpu.memref_slice %arg9[%dma_wait3A_136, %dma_wait3A_137] : memref<640x128xf32, #tpu.memory_space<vmem>> -> memref<128x128xf32, #tpu.memory_space<vmem>>
    %dma_wait3A_139 = arith.constant 0 : i32
    %dma_wait3A_140 = tpu.memref_slice %arg8[%dma_wait3A_135, %dma_wait3A_139] : memref<20x128xi32, #tpu.memory_space<vmem>> -> memref<1x128xi32, #tpu.memory_space<vmem>>
    %dma_wait3A_141 = tpu.memref_squeeze %dma_wait3A_140 : memref<1x128xi32, #tpu.memory_space<vmem>> -> memref<128xi32, #tpu.memory_space<vmem>>
    %dma_wait3A_142 = arith.constant 0 : i32
    %dma_wait3A_143 = arith.constant 0 : i32
    %dma_wait3A_144 = tpu.memref_slice %arg2[%dma_wait3A_142, %dma_wait3A_143] : memref<507904x128xf32, #tpu.memory_space<hbm>> -> memref<507904x128xf32, #tpu.memory_space<hbm>>
    tpu.wait_indirect_dma semaphore(%arg10 : memref<!tpu.dma_semaphore, #tpu.memory_space<semaphore_mem>>) src(%dma_wait3A_144 : memref<507904x128xf32, #tpu.memory_space<hbm>>) dst(%dma_wait3A_138 : memref<128x128xf32, #tpu.memory_space<vmem>>)
    %dma_wait3A_145 = arith.constant 1 : i32
    %dma_wait3A_146 = arith.constant 128 : i32
    %dma_wait3A_147 = arith.constant 0 : i32
    %dma_wait3A_148 = tpu.memref_slice %arg9[%dma_wait3A_146, %dma_wait3A_147] : memref<640x128xf32, #tpu.memory_space<vmem>> -> memref<128x128xf32, #tpu.memory_space<vmem>>
    %dma_wait3A_149 = arith.constant 0 : i32
    %dma_wait3A_150 = tpu.memref_slice %arg8[%dma_wait3A_145, %dma_wait3A_149] : memref<20x128xi32, #tpu.memory_space<vmem>> -> memref<1x128xi32, #tpu.memory_space<vmem>>
    %dma_wait3A_151 = tpu.memref_squeeze %dma_wait3A_150 : memref<1x128xi32, #tpu.memory_space<vmem>> -> memref<128xi32, #tpu.memory_space<vmem>>
    %dma_wait3A_152 = arith.constant 0 : i32
    %dma_wait3A_153 = arith.constant 0 : i32
    %dma_wait3A_154 = tpu.memref_slice %arg2[%dma_wait3A_152, %dma_wait3A_153] : memref<507904x128xf32, #tpu.memory_space<hbm>> -> memref<507904x128xf32, #tpu.memory_space<hbm>>
    tpu.wait_indirect_dma semaphore(%arg10 : memref<!tpu.dma_semaphore, #tpu.memory_space<semaphore_mem>>) src(%dma_wait3A_154 : memref<507904x128xf32, #tpu.memory_space<hbm>>) dst(%dma_wait3A_148 : memref<128x128xf32, #tpu.memory_space<vmem>>)
    %dma_wait3A_155 = arith.constant 2 : i32
    %dma_wait3A_156 = arith.constant 256 : i32
    %dma_wait3A_157 = arith.constant 0 : i32
    %dma_wait3A_158 = tpu.memref_slice %arg9[%dma_wait3A_156, %dma_wait3A_157] : memref<640x128xf32, #tpu.memory_space<vmem>> -> memref<128x128xf32, #tpu.memory_space<vmem>>
    %dma_wait3A_159 = arith.constant 0 : i32
    %dma_wait3A_160 = tpu.memref_slice %arg8[%dma_wait3A_155, %dma_wait3A_159] : memref<20x128xi32, #tpu.memory_space<vmem>> -> memref<1x128xi32, #tpu.memory_space<vmem>>
    %dma_wait3A_161 = tpu.memref_squeeze %dma_wait3A_160 : memref<1x128xi32, #tpu.memory_space<vmem>> -> memref<128xi32, #tpu.memory_space<vmem>>
    %dma_wait3A_162 = arith.constant 0 : i32
    %dma_wait3A_163 = arith.constant 0 : i32
    %dma_wait3A_164 = tpu.memref_slice %arg2[%dma_wait3A_162, %dma_wait3A_163] : memref<507904x128xf32, #tpu.memory_space<hbm>> -> memref<507904x128xf32, #tpu.memory_space<hbm>>
    tpu.wait_indirect_dma semaphore(%arg10 : memref<!tpu.dma_semaphore, #tpu.memory_space<semaphore_mem>>) src(%dma_wait3A_164 : memref<507904x128xf32, #tpu.memory_space<hbm>>) dst(%dma_wait3A_158 : memref<128x128xf32, #tpu.memory_space<vmem>>)
    %dma_wait3A_165 = arith.constant 3 : i32
    %dma_wait3A_166 = arith.constant 384 : i32
    %dma_wait3A_167 = arith.constant 0 : i32
    %dma_wait3A_168 = tpu.memref_slice %arg9[%dma_wait3A_166, %dma_wait3A_167] : memref<640x128xf32, #tpu.memory_space<vmem>> -> memref<128x128xf32, #tpu.memory_space<vmem>>
    %dma_wait3A_169 = arith.constant 0 : i32
    %dma_wait3A_170 = tpu.memref_slice %arg8[%dma_wait3A_165, %dma_wait3A_169] : memref<20x128xi32, #tpu.memory_space<vmem>> -> memref<1x128xi32, #tpu.memory_space<vmem>>
    %dma_wait3A_171 = tpu.memref_squeeze %dma_wait3A_170 : memref<1x128xi32, #tpu.memory_space<vmem>> -> memref<128xi32, #tpu.memory_space<vmem>>
    %dma_wait3A_172 = arith.constant 0 : i32
    %dma_wait3A_173 = arith.constant 0 : i32
    %dma_wait3A_174 = tpu.memref_slice %arg2[%dma_wait3A_172, %dma_wait3A_173] : memref<507904x128xf32, #tpu.memory_space<hbm>> -> memref<507904x128xf32, #tpu.memory_space<hbm>>
    tpu.wait_indirect_dma semaphore(%arg10 : memref<!tpu.dma_semaphore, #tpu.memory_space<semaphore_mem>>) src(%dma_wait3A_174 : memref<507904x128xf32, #tpu.memory_space<hbm>>) dst(%dma_wait3A_168 : memref<128x128xf32, #tpu.memory_space<vmem>>)
    %dma_wait3A_175 = arith.constant 4 : i32
    %dma_wait3A_176 = arith.constant 512 : i32
    %dma_wait3A_177 = arith.constant 0 : i32
    %dma_wait3A_178 = tpu.memref_slice %arg9[%dma_wait3A_176, %dma_wait3A_177] : memref<640x128xf32, #tpu.memory_space<vmem>> -> memref<128x128xf32, #tpu.memory_space<vmem>>
    %dma_wait3A_179 = arith.constant 0 : i32
    %dma_wait3A_180 = tpu.memref_slice %arg8[%dma_wait3A_175, %dma_wait3A_179] : memref<20x128xi32, #tpu.memory_space<vmem>> -> memref<1x128xi32, #tpu.memory_space<vmem>>
    %dma_wait3A_181 = tpu.memref_squeeze %dma_wait3A_180 : memref<1x128xi32, #tpu.memory_space<vmem>> -> memref<128xi32, #tpu.memory_space<vmem>>
    %dma_wait3A_182 = arith.constant 0 : i32
    %dma_wait3A_183 = arith.constant 0 : i32
    %dma_wait3A_184 = tpu.memref_slice %arg2[%dma_wait3A_182, %dma_wait3A_183] : memref<507904x128xf32, #tpu.memory_space<hbm>> -> memref<507904x128xf32, #tpu.memory_space<hbm>>
    tpu.wait_indirect_dma semaphore(%arg10 : memref<!tpu.dma_semaphore, #tpu.memory_space<semaphore_mem>>) src(%dma_wait3A_184 : memref<507904x128xf32, #tpu.memory_space<hbm>>) dst(%dma_wait3A_178 : memref<128x128xf32, #tpu.memory_space<vmem>>)
    %mul3A_185 = arith.constant 20 : i32
    %mul3A_186 = arith.muli %add3A, %mul3A_185 : i32
    %mul3A_187 = arith.constant 128 : i32
    %mul3A_188 = arith.muli %mul3A_186, %mul3A_187 : i32
    %add3A_189 = arith.constant 0 : i32
    %add3A_190 = arith.addi %mul3A_188, %add3A_189 : i32
    "tpu.region"() ({
      %run_scoped3A = tpu.sem_alloc : memref<!tpu.dma_semaphore, #tpu.memory_space<semaphore_mem>>
      %dma_start3A_509 = arith.constant 0 : i32
      %dma_start3A_510 = arith.constant 0 : i32
      %dma_start3A_511 = tpu.memref_slice %arg9[%dma_start3A_509, %dma_start3A_510] : memref<640x128xf32, #tpu.memory_space<vmem>> -> memref<640x128xf32, #tpu.memory_space<vmem>>
      %dma_start3A_512 = arith.constant 0 : i32
      %dma_start3A_513 = tpu.memref_slice %arg6[%add3A_190, %dma_start3A_512] : memref<81920x128xf32, #tpu.memory_space<hbm>> -> memref<640x128xf32, #tpu.memory_space<hbm>>
      %dma_start3A_514 = arith.constant 0 : i32
      %dma_start3A_515 = tpu.memref_slice %arg6[%add3A_190, %dma_start3A_514] : memref<81920x128xf32, #tpu.memory_space<hbm>> -> memref<640x128xf32, #tpu.memory_space<hbm>>
      %dma_start3A_516 = arith.constant 0 : i32
      %dma_start3A_517 = arith.constant 0 : i32
      %dma_start3A_518 = tpu.memref_slice %arg9[%dma_start3A_516, %dma_start3A_517] : memref<640x128xf32, #tpu.memory_space<vmem>> -> memref<640x128xf32, #tpu.memory_space<vmem>>
      tpu.enqueue_dma source(%dma_start3A_518 : memref<640x128xf32, #tpu.memory_space<vmem>>) target(%dma_start3A_515 : memref<640x128xf32, #tpu.memory_space<hbm>>) target_semaphore(%run_scoped3A : memref<!tpu.dma_semaphore, #tpu.memory_space<semaphore_mem>>)
      %dma_wait3A_519 = arith.constant 0 : i32
      %dma_wait3A_520 = arith.constant 0 : i32
      %dma_wait3A_521 = tpu.memref_slice %arg9[%dma_wait3A_519, %dma_wait3A_520] : memref<640x128xf32, #tpu.memory_space<vmem>> -> memref<640x128xf32, #tpu.memory_space<vmem>>
      %dma_wait3A_522 = arith.constant 0 : i32
      %dma_wait3A_523 = tpu.memref_slice %arg6[%add3A_190, %dma_wait3A_522] : memref<81920x128xf32, #tpu.memory_space<hbm>> -> memref<640x128xf32, #tpu.memory_space<hbm>>
      %dma_wait3A_524 = arith.constant 0 : i32
      %dma_wait3A_525 = tpu.memref_slice %arg6[%add3A_190, %dma_wait3A_524] : memref<81920x128xf32, #tpu.memory_space<hbm>> -> memref<640x128xf32, #tpu.memory_space<hbm>>
      %dma_wait3A_526 = arith.constant 0 : i32
      %dma_wait3A_527 = arith.constant 0 : i32
      %dma_wait3A_528 = tpu.memref_slice %arg9[%dma_wait3A_526, %dma_wait3A_527] : memref<640x128xf32, #tpu.memory_space<vmem>> -> memref<640x128xf32, #tpu.memory_space<vmem>>
      tpu.wait_dma2 semaphore(%run_scoped3A : memref<!tpu.dma_semaphore, #tpu.memory_space<semaphore_mem>>) src(%dma_wait3A_528 : memref<640x128xf32, #tpu.memory_space<vmem>>) dst(%dma_wait3A_525 : memref<640x128xf32, #tpu.memory_space<hbm>>)
      tpu.yield
    }) : () -> ()
    %dma_start3A_191 = arith.constant 5 : i32
    %dma_start3A_192 = arith.constant 0 : i32
    %dma_start3A_193 = arith.constant 0 : i32
    %dma_start3A_194 = tpu.memref_slice %arg9[%dma_start3A_192, %dma_start3A_193] : memref<640x128xf32, #tpu.memory_space<vmem>> -> memref<128x128xf32, #tpu.memory_space<vmem>>
    %dma_start3A_195 = arith.constant 0 : i32
    %dma_start3A_196 = tpu.memref_slice %arg8[%dma_start3A_191, %dma_start3A_195] : memref<20x128xi32, #tpu.memory_space<vmem>> -> memref<1x128xi32, #tpu.memory_space<vmem>>
    %dma_start3A_197 = tpu.memref_squeeze %dma_start3A_196 : memref<1x128xi32, #tpu.memory_space<vmem>> -> memref<128xi32, #tpu.memory_space<vmem>>
    %dma_start3A_198 = arith.constant 0 : i32
    %dma_start3A_199 = arith.constant 0 : i32
    %dma_start3A_200 = tpu.memref_slice %arg2[%dma_start3A_198, %dma_start3A_199] : memref<507904x128xf32, #tpu.memory_space<hbm>> -> memref<507904x128xf32, #tpu.memory_space<hbm>>
    tpu.enqueue_indirect_dma source(%dma_start3A_200 : memref<507904x128xf32, #tpu.memory_space<hbm>>) target(%dma_start3A_194 : memref<128x128xf32, #tpu.memory_space<vmem>>) offsets(%dma_start3A_197 : memref<128xi32, #tpu.memory_space<vmem>>) semaphore(%arg10 : memref<!tpu.dma_semaphore, #tpu.memory_space<semaphore_mem>>)
    %dma_start3A_201 = arith.constant 6 : i32
    %dma_start3A_202 = arith.constant 128 : i32
    %dma_start3A_203 = arith.constant 0 : i32
    %dma_start3A_204 = tpu.memref_slice %arg9[%dma_start3A_202, %dma_start3A_203] : memref<640x128xf32, #tpu.memory_space<vmem>> -> memref<128x128xf32, #tpu.memory_space<vmem>>
    %dma_start3A_205 = arith.constant 0 : i32
    %dma_start3A_206 = tpu.memref_slice %arg8[%dma_start3A_201, %dma_start3A_205] : memref<20x128xi32, #tpu.memory_space<vmem>> -> memref<1x128xi32, #tpu.memory_space<vmem>>
    %dma_start3A_207 = tpu.memref_squeeze %dma_start3A_206 : memref<1x128xi32, #tpu.memory_space<vmem>> -> memref<128xi32, #tpu.memory_space<vmem>>
    %dma_start3A_208 = arith.constant 0 : i32
    %dma_start3A_209 = arith.constant 0 : i32
    %dma_start3A_210 = tpu.memref_slice %arg2[%dma_start3A_208, %dma_start3A_209] : memref<507904x128xf32, #tpu.memory_space<hbm>> -> memref<507904x128xf32, #tpu.memory_space<hbm>>
    tpu.enqueue_indirect_dma source(%dma_start3A_210 : memref<507904x128xf32, #tpu.memory_space<hbm>>) target(%dma_start3A_204 : memref<128x128xf32, #tpu.memory_space<vmem>>) offsets(%dma_start3A_207 : memref<128xi32, #tpu.memory_space<vmem>>) semaphore(%arg10 : memref<!tpu.dma_semaphore, #tpu.memory_space<semaphore_mem>>)
    %dma_start3A_211 = arith.constant 7 : i32
    %dma_start3A_212 = arith.constant 256 : i32
    %dma_start3A_213 = arith.constant 0 : i32
    %dma_start3A_214 = tpu.memref_slice %arg9[%dma_start3A_212, %dma_start3A_213] : memref<640x128xf32, #tpu.memory_space<vmem>> -> memref<128x128xf32, #tpu.memory_space<vmem>>
    %dma_start3A_215 = arith.constant 0 : i32
    %dma_start3A_216 = tpu.memref_slice %arg8[%dma_start3A_211, %dma_start3A_215] : memref<20x128xi32, #tpu.memory_space<vmem>> -> memref<1x128xi32, #tpu.memory_space<vmem>>
    %dma_start3A_217 = tpu.memref_squeeze %dma_start3A_216 : memref<1x128xi32, #tpu.memory_space<vmem>> -> memref<128xi32, #tpu.memory_space<vmem>>
    %dma_start3A_218 = arith.constant 0 : i32
    %dma_start3A_219 = arith.constant 0 : i32
    %dma_start3A_220 = tpu.memref_slice %arg2[%dma_start3A_218, %dma_start3A_219] : memref<507904x128xf32, #tpu.memory_space<hbm>> -> memref<507904x128xf32, #tpu.memory_space<hbm>>
    tpu.enqueue_indirect_dma source(%dma_start3A_220 : memref<507904x128xf32, #tpu.memory_space<hbm>>) target(%dma_start3A_214 : memref<128x128xf32, #tpu.memory_space<vmem>>) offsets(%dma_start3A_217 : memref<128xi32, #tpu.memory_space<vmem>>) semaphore(%arg10 : memref<!tpu.dma_semaphore, #tpu.memory_space<semaphore_mem>>)
    %dma_start3A_221 = arith.constant 8 : i32
    %dma_start3A_222 = arith.constant 384 : i32
    %dma_start3A_223 = arith.constant 0 : i32
    %dma_start3A_224 = tpu.memref_slice %arg9[%dma_start3A_222, %dma_start3A_223] : memref<640x128xf32, #tpu.memory_space<vmem>> -> memref<128x128xf32, #tpu.memory_space<vmem>>
    %dma_start3A_225 = arith.constant 0 : i32
    %dma_start3A_226 = tpu.memref_slice %arg8[%dma_start3A_221, %dma_start3A_225] : memref<20x128xi32, #tpu.memory_space<vmem>> -> memref<1x128xi32, #tpu.memory_space<vmem>>
    %dma_start3A_227 = tpu.memref_squeeze %dma_start3A_226 : memref<1x128xi32, #tpu.memory_space<vmem>> -> memref<128xi32, #tpu.memory_space<vmem>>
    %dma_start3A_228 = arith.constant 0 : i32
    %dma_start3A_229 = arith.constant 0 : i32
    %dma_start3A_230 = tpu.memref_slice %arg2[%dma_start3A_228, %dma_start3A_229] : memref<507904x128xf32, #tpu.memory_space<hbm>> -> memref<507904x128xf32, #tpu.memory_space<hbm>>
    tpu.enqueue_indirect_dma source(%dma_start3A_230 : memref<507904x128xf32, #tpu.memory_space<hbm>>) target(%dma_start3A_224 : memref<128x128xf32, #tpu.memory_space<vmem>>) offsets(%dma_start3A_227 : memref<128xi32, #tpu.memory_space<vmem>>) semaphore(%arg10 : memref<!tpu.dma_semaphore, #tpu.memory_space<semaphore_mem>>)
    %dma_start3A_231 = arith.constant 9 : i32
    %dma_start3A_232 = arith.constant 512 : i32
    %dma_start3A_233 = arith.constant 0 : i32
    %dma_start3A_234 = tpu.memref_slice %arg9[%dma_start3A_232, %dma_start3A_233] : memref<640x128xf32, #tpu.memory_space<vmem>> -> memref<128x128xf32, #tpu.memory_space<vmem>>
    %dma_start3A_235 = arith.constant 0 : i32
    %dma_start3A_236 = tpu.memref_slice %arg8[%dma_start3A_231, %dma_start3A_235] : memref<20x128xi32, #tpu.memory_space<vmem>> -> memref<1x128xi32, #tpu.memory_space<vmem>>
    %dma_start3A_237 = tpu.memref_squeeze %dma_start3A_236 : memref<1x128xi32, #tpu.memory_space<vmem>> -> memref<128xi32, #tpu.memory_space<vmem>>
    %dma_start3A_238 = arith.constant 0 : i32
    %dma_start3A_239 = arith.constant 0 : i32
    %dma_start3A_240 = tpu.memref_slice %arg2[%dma_start3A_238, %dma_start3A_239] : memref<507904x128xf32, #tpu.memory_space<hbm>> -> memref<507904x128xf32, #tpu.memory_space<hbm>>
    tpu.enqueue_indirect_dma source(%dma_start3A_240 : memref<507904x128xf32, #tpu.memory_space<hbm>>) target(%dma_start3A_234 : memref<128x128xf32, #tpu.memory_space<vmem>>) offsets(%dma_start3A_237 : memref<128xi32, #tpu.memory_space<vmem>>) semaphore(%arg10 : memref<!tpu.dma_semaphore, #tpu.memory_space<semaphore_mem>>)
    %dma_wait3A_241 = arith.constant 5 : i32
    %dma_wait3A_242 = arith.constant 0 : i32
    %dma_wait3A_243 = arith.constant 0 : i32
    %dma_wait3A_244 = tpu.memref_slice %arg9[%dma_wait3A_242, %dma_wait3A_243] : memref<640x128xf32, #tpu.memory_space<vmem>> -> memref<128x128xf32, #tpu.memory_space<vmem>>
    %dma_wait3A_245 = arith.constant 0 : i32
    %dma_wait3A_246 = tpu.memref_slice %arg8[%dma_wait3A_241, %dma_wait3A_245] : memref<20x128xi32, #tpu.memory_space<vmem>> -> memref<1x128xi32, #tpu.memory_space<vmem>>
    %dma_wait3A_247 = tpu.memref_squeeze %dma_wait3A_246 : memref<1x128xi32, #tpu.memory_space<vmem>> -> memref<128xi32, #tpu.memory_space<vmem>>
    %dma_wait3A_248 = arith.constant 0 : i32
    %dma_wait3A_249 = arith.constant 0 : i32
    %dma_wait3A_250 = tpu.memref_slice %arg2[%dma_wait3A_248, %dma_wait3A_249] : memref<507904x128xf32, #tpu.memory_space<hbm>> -> memref<507904x128xf32, #tpu.memory_space<hbm>>
    tpu.wait_indirect_dma semaphore(%arg10 : memref<!tpu.dma_semaphore, #tpu.memory_space<semaphore_mem>>) src(%dma_wait3A_250 : memref<507904x128xf32, #tpu.memory_space<hbm>>) dst(%dma_wait3A_244 : memref<128x128xf32, #tpu.memory_space<vmem>>)
    %dma_wait3A_251 = arith.constant 6 : i32
    %dma_wait3A_252 = arith.constant 128 : i32
    %dma_wait3A_253 = arith.constant 0 : i32
    %dma_wait3A_254 = tpu.memref_slice %arg9[%dma_wait3A_252, %dma_wait3A_253] : memref<640x128xf32, #tpu.memory_space<vmem>> -> memref<128x128xf32, #tpu.memory_space<vmem>>
    %dma_wait3A_255 = arith.constant 0 : i32
    %dma_wait3A_256 = tpu.memref_slice %arg8[%dma_wait3A_251, %dma_wait3A_255] : memref<20x128xi32, #tpu.memory_space<vmem>> -> memref<1x128xi32, #tpu.memory_space<vmem>>
    %dma_wait3A_257 = tpu.memref_squeeze %dma_wait3A_256 : memref<1x128xi32, #tpu.memory_space<vmem>> -> memref<128xi32, #tpu.memory_space<vmem>>
    %dma_wait3A_258 = arith.constant 0 : i32
    %dma_wait3A_259 = arith.constant 0 : i32
    %dma_wait3A_260 = tpu.memref_slice %arg2[%dma_wait3A_258, %dma_wait3A_259] : memref<507904x128xf32, #tpu.memory_space<hbm>> -> memref<507904x128xf32, #tpu.memory_space<hbm>>
    tpu.wait_indirect_dma semaphore(%arg10 : memref<!tpu.dma_semaphore, #tpu.memory_space<semaphore_mem>>) src(%dma_wait3A_260 : memref<507904x128xf32, #tpu.memory_space<hbm>>) dst(%dma_wait3A_254 : memref<128x128xf32, #tpu.memory_space<vmem>>)
    %dma_wait3A_261 = arith.constant 7 : i32
    %dma_wait3A_262 = arith.constant 256 : i32
    %dma_wait3A_263 = arith.constant 0 : i32
    %dma_wait3A_264 = tpu.memref_slice %arg9[%dma_wait3A_262, %dma_wait3A_263] : memref<640x128xf32, #tpu.memory_space<vmem>> -> memref<128x128xf32, #tpu.memory_space<vmem>>
    %dma_wait3A_265 = arith.constant 0 : i32
    %dma_wait3A_266 = tpu.memref_slice %arg8[%dma_wait3A_261, %dma_wait3A_265] : memref<20x128xi32, #tpu.memory_space<vmem>> -> memref<1x128xi32, #tpu.memory_space<vmem>>
    %dma_wait3A_267 = tpu.memref_squeeze %dma_wait3A_266 : memref<1x128xi32, #tpu.memory_space<vmem>> -> memref<128xi32, #tpu.memory_space<vmem>>
    %dma_wait3A_268 = arith.constant 0 : i32
    %dma_wait3A_269 = arith.constant 0 : i32
    %dma_wait3A_270 = tpu.memref_slice %arg2[%dma_wait3A_268, %dma_wait3A_269] : memref<507904x128xf32, #tpu.memory_space<hbm>> -> memref<507904x128xf32, #tpu.memory_space<hbm>>
    tpu.wait_indirect_dma semaphore(%arg10 : memref<!tpu.dma_semaphore, #tpu.memory_space<semaphore_mem>>) src(%dma_wait3A_270 : memref<507904x128xf32, #tpu.memory_space<hbm>>) dst(%dma_wait3A_264 : memref<128x128xf32, #tpu.memory_space<vmem>>)
    %dma_wait3A_271 = arith.constant 8 : i32
    %dma_wait3A_272 = arith.constant 384 : i32
    %dma_wait3A_273 = arith.constant 0 : i32
    %dma_wait3A_274 = tpu.memref_slice %arg9[%dma_wait3A_272, %dma_wait3A_273] : memref<640x128xf32, #tpu.memory_space<vmem>> -> memref<128x128xf32, #tpu.memory_space<vmem>>
    %dma_wait3A_275 = arith.constant 0 : i32
    %dma_wait3A_276 = tpu.memref_slice %arg8[%dma_wait3A_271, %dma_wait3A_275] : memref<20x128xi32, #tpu.memory_space<vmem>> -> memref<1x128xi32, #tpu.memory_space<vmem>>
    %dma_wait3A_277 = tpu.memref_squeeze %dma_wait3A_276 : memref<1x128xi32, #tpu.memory_space<vmem>> -> memref<128xi32, #tpu.memory_space<vmem>>
    %dma_wait3A_278 = arith.constant 0 : i32
    %dma_wait3A_279 = arith.constant 0 : i32
    %dma_wait3A_280 = tpu.memref_slice %arg2[%dma_wait3A_278, %dma_wait3A_279] : memref<507904x128xf32, #tpu.memory_space<hbm>> -> memref<507904x128xf32, #tpu.memory_space<hbm>>
    tpu.wait_indirect_dma semaphore(%arg10 : memref<!tpu.dma_semaphore, #tpu.memory_space<semaphore_mem>>) src(%dma_wait3A_280 : memref<507904x128xf32, #tpu.memory_space<hbm>>) dst(%dma_wait3A_274 : memref<128x128xf32, #tpu.memory_space<vmem>>)
    %dma_wait3A_281 = arith.constant 9 : i32
    %dma_wait3A_282 = arith.constant 512 : i32
    %dma_wait3A_283 = arith.constant 0 : i32
    %dma_wait3A_284 = tpu.memref_slice %arg9[%dma_wait3A_282, %dma_wait3A_283] : memref<640x128xf32, #tpu.memory_space<vmem>> -> memref<128x128xf32, #tpu.memory_space<vmem>>
    %dma_wait3A_285 = arith.constant 0 : i32
    %dma_wait3A_286 = tpu.memref_slice %arg8[%dma_wait3A_281, %dma_wait3A_285] : memref<20x128xi32, #tpu.memory_space<vmem>> -> memref<1x128xi32, #tpu.memory_space<vmem>>
    %dma_wait3A_287 = tpu.memref_squeeze %dma_wait3A_286 : memref<1x128xi32, #tpu.memory_space<vmem>> -> memref<128xi32, #tpu.memory_space<vmem>>
    %dma_wait3A_288 = arith.constant 0 : i32
    %dma_wait3A_289 = arith.constant 0 : i32
    %dma_wait3A_290 = tpu.memref_slice %arg2[%dma_wait3A_288, %dma_wait3A_289] : memref<507904x128xf32, #tpu.memory_space<hbm>> -> memref<507904x128xf32, #tpu.memory_space<hbm>>
    tpu.wait_indirect_dma semaphore(%arg10 : memref<!tpu.dma_semaphore, #tpu.memory_space<semaphore_mem>>) src(%dma_wait3A_290 : memref<507904x128xf32, #tpu.memory_space<hbm>>) dst(%dma_wait3A_284 : memref<128x128xf32, #tpu.memory_space<vmem>>)
    %mul3A_291 = arith.constant 20 : i32
    %mul3A_292 = arith.muli %add3A, %mul3A_291 : i32
    %mul3A_293 = arith.constant 128 : i32
    %mul3A_294 = arith.muli %mul3A_292, %mul3A_293 : i32
    %add3A_295 = arith.constant 640 : i32
    %add3A_296 = arith.addi %mul3A_294, %add3A_295 : i32
    "tpu.region"() ({
      %run_scoped3A = tpu.sem_alloc : memref<!tpu.dma_semaphore, #tpu.memory_space<semaphore_mem>>
      %dma_start3A_509 = arith.constant 0 : i32
      %dma_start3A_510 = arith.constant 0 : i32
      %dma_start3A_511 = tpu.memref_slice %arg9[%dma_start3A_509, %dma_start3A_510] : memref<640x128xf32, #tpu.memory_space<vmem>> -> memref<640x128xf32, #tpu.memory_space<vmem>>
      %dma_start3A_512 = arith.constant 0 : i32
      %dma_start3A_513 = tpu.memref_slice %arg6[%add3A_296, %dma_start3A_512] : memref<81920x128xf32, #tpu.memory_space<hbm>> -> memref<640x128xf32, #tpu.memory_space<hbm>>
      %dma_start3A_514 = arith.constant 0 : i32
      %dma_start3A_515 = tpu.memref_slice %arg6[%add3A_296, %dma_start3A_514] : memref<81920x128xf32, #tpu.memory_space<hbm>> -> memref<640x128xf32, #tpu.memory_space<hbm>>
      %dma_start3A_516 = arith.constant 0 : i32
      %dma_start3A_517 = arith.constant 0 : i32
      %dma_start3A_518 = tpu.memref_slice %arg9[%dma_start3A_516, %dma_start3A_517] : memref<640x128xf32, #tpu.memory_space<vmem>> -> memref<640x128xf32, #tpu.memory_space<vmem>>
      tpu.enqueue_dma source(%dma_start3A_518 : memref<640x128xf32, #tpu.memory_space<vmem>>) target(%dma_start3A_515 : memref<640x128xf32, #tpu.memory_space<hbm>>) target_semaphore(%run_scoped3A : memref<!tpu.dma_semaphore, #tpu.memory_space<semaphore_mem>>)
      %dma_wait3A_519 = arith.constant 0 : i32
      %dma_wait3A_520 = arith.constant 0 : i32
      %dma_wait3A_521 = tpu.memref_slice %arg9[%dma_wait3A_519, %dma_wait3A_520] : memref<640x128xf32, #tpu.memory_space<vmem>> -> memref<640x128xf32, #tpu.memory_space<vmem>>
      %dma_wait3A_522 = arith.constant 0 : i32
      %dma_wait3A_523 = tpu.memref_slice %arg6[%add3A_296, %dma_wait3A_522] : memref<81920x128xf32, #tpu.memory_space<hbm>> -> memref<640x128xf32, #tpu.memory_space<hbm>>
      %dma_wait3A_524 = arith.constant 0 : i32
      %dma_wait3A_525 = tpu.memref_slice %arg6[%add3A_296, %dma_wait3A_524] : memref<81920x128xf32, #tpu.memory_space<hbm>> -> memref<640x128xf32, #tpu.memory_space<hbm>>
      %dma_wait3A_526 = arith.constant 0 : i32
      %dma_wait3A_527 = arith.constant 0 : i32
      %dma_wait3A_528 = tpu.memref_slice %arg9[%dma_wait3A_526, %dma_wait3A_527] : memref<640x128xf32, #tpu.memory_space<vmem>> -> memref<640x128xf32, #tpu.memory_space<vmem>>
      tpu.wait_dma2 semaphore(%run_scoped3A : memref<!tpu.dma_semaphore, #tpu.memory_space<semaphore_mem>>) src(%dma_wait3A_528 : memref<640x128xf32, #tpu.memory_space<vmem>>) dst(%dma_wait3A_525 : memref<640x128xf32, #tpu.memory_space<hbm>>)
      tpu.yield
    }) : () -> ()
    %dma_start3A_297 = arith.constant 10 : i32
    %dma_start3A_298 = arith.constant 0 : i32
    %dma_start3A_299 = arith.constant 0 : i32
    %dma_start3A_300 = tpu.memref_slice %arg9[%dma_start3A_298, %dma_start3A_299] : memref<640x128xf32, #tpu.memory_space<vmem>> -> memref<128x128xf32, #tpu.memory_space<vmem>>
    %dma_start3A_301 = arith.constant 0 : i32
    %dma_start3A_302 = tpu.memref_slice %arg8[%dma_start3A_297, %dma_start3A_301] : memref<20x128xi32, #tpu.memory_space<vmem>> -> memref<1x128xi32, #tpu.memory_space<vmem>>
    %dma_start3A_303 = tpu.memref_squeeze %dma_start3A_302 : memref<1x128xi32, #tpu.memory_space<vmem>> -> memref<128xi32, #tpu.memory_space<vmem>>
    %dma_start3A_304 = arith.constant 0 : i32
    %dma_start3A_305 = arith.constant 0 : i32
    %dma_start3A_306 = tpu.memref_slice %arg2[%dma_start3A_304, %dma_start3A_305] : memref<507904x128xf32, #tpu.memory_space<hbm>> -> memref<507904x128xf32, #tpu.memory_space<hbm>>
    tpu.enqueue_indirect_dma source(%dma_start3A_306 : memref<507904x128xf32, #tpu.memory_space<hbm>>) target(%dma_start3A_300 : memref<128x128xf32, #tpu.memory_space<vmem>>) offsets(%dma_start3A_303 : memref<128xi32, #tpu.memory_space<vmem>>) semaphore(%arg10 : memref<!tpu.dma_semaphore, #tpu.memory_space<semaphore_mem>>)
    %dma_start3A_307 = arith.constant 11 : i32
    %dma_start3A_308 = arith.constant 128 : i32
    %dma_start3A_309 = arith.constant 0 : i32
    %dma_start3A_310 = tpu.memref_slice %arg9[%dma_start3A_308, %dma_start3A_309] : memref<640x128xf32, #tpu.memory_space<vmem>> -> memref<128x128xf32, #tpu.memory_space<vmem>>
    %dma_start3A_311 = arith.constant 0 : i32
    %dma_start3A_312 = tpu.memref_slice %arg8[%dma_start3A_307, %dma_start3A_311] : memref<20x128xi32, #tpu.memory_space<vmem>> -> memref<1x128xi32, #tpu.memory_space<vmem>>
    %dma_start3A_313 = tpu.memref_squeeze %dma_start3A_312 : memref<1x128xi32, #tpu.memory_space<vmem>> -> memref<128xi32, #tpu.memory_space<vmem>>
    %dma_start3A_314 = arith.constant 0 : i32
    %dma_start3A_315 = arith.constant 0 : i32
    %dma_start3A_316 = tpu.memref_slice %arg2[%dma_start3A_314, %dma_start3A_315] : memref<507904x128xf32, #tpu.memory_space<hbm>> -> memref<507904x128xf32, #tpu.memory_space<hbm>>
    tpu.enqueue_indirect_dma source(%dma_start3A_316 : memref<507904x128xf32, #tpu.memory_space<hbm>>) target(%dma_start3A_310 : memref<128x128xf32, #tpu.memory_space<vmem>>) offsets(%dma_start3A_313 : memref<128xi32, #tpu.memory_space<vmem>>) semaphore(%arg10 : memref<!tpu.dma_semaphore, #tpu.memory_space<semaphore_mem>>)
    %dma_start3A_317 = arith.constant 12 : i32
    %dma_start3A_318 = arith.constant 256 : i32
    %dma_start3A_319 = arith.constant 0 : i32
    %dma_start3A_320 = tpu.memref_slice %arg9[%dma_start3A_318, %dma_start3A_319] : memref<640x128xf32, #tpu.memory_space<vmem>> -> memref<128x128xf32, #tpu.memory_space<vmem>>
    %dma_start3A_321 = arith.constant 0 : i32
    %dma_start3A_322 = tpu.memref_slice %arg8[%dma_start3A_317, %dma_start3A_321] : memref<20x128xi32, #tpu.memory_space<vmem>> -> memref<1x128xi32, #tpu.memory_space<vmem>>
    %dma_start3A_323 = tpu.memref_squeeze %dma_start3A_322 : memref<1x128xi32, #tpu.memory_space<vmem>> -> memref<128xi32, #tpu.memory_space<vmem>>
    %dma_start3A_324 = arith.constant 0 : i32
    %dma_start3A_325 = arith.constant 0 : i32
    %dma_start3A_326 = tpu.memref_slice %arg2[%dma_start3A_324, %dma_start3A_325] : memref<507904x128xf32, #tpu.memory_space<hbm>> -> memref<507904x128xf32, #tpu.memory_space<hbm>>
    tpu.enqueue_indirect_dma source(%dma_start3A_326 : memref<507904x128xf32, #tpu.memory_space<hbm>>) target(%dma_start3A_320 : memref<128x128xf32, #tpu.memory_space<vmem>>) offsets(%dma_start3A_323 : memref<128xi32, #tpu.memory_space<vmem>>) semaphore(%arg10 : memref<!tpu.dma_semaphore, #tpu.memory_space<semaphore_mem>>)
    %dma_start3A_327 = arith.constant 13 : i32
    %dma_start3A_328 = arith.constant 384 : i32
    %dma_start3A_329 = arith.constant 0 : i32
    %dma_start3A_330 = tpu.memref_slice %arg9[%dma_start3A_328, %dma_start3A_329] : memref<640x128xf32, #tpu.memory_space<vmem>> -> memref<128x128xf32, #tpu.memory_space<vmem>>
    %dma_start3A_331 = arith.constant 0 : i32
    %dma_start3A_332 = tpu.memref_slice %arg8[%dma_start3A_327, %dma_start3A_331] : memref<20x128xi32, #tpu.memory_space<vmem>> -> memref<1x128xi32, #tpu.memory_space<vmem>>
    %dma_start3A_333 = tpu.memref_squeeze %dma_start3A_332 : memref<1x128xi32, #tpu.memory_space<vmem>> -> memref<128xi32, #tpu.memory_space<vmem>>
    %dma_start3A_334 = arith.constant 0 : i32
    %dma_start3A_335 = arith.constant 0 : i32
    %dma_start3A_336 = tpu.memref_slice %arg2[%dma_start3A_334, %dma_start3A_335] : memref<507904x128xf32, #tpu.memory_space<hbm>> -> memref<507904x128xf32, #tpu.memory_space<hbm>>
    tpu.enqueue_indirect_dma source(%dma_start3A_336 : memref<507904x128xf32, #tpu.memory_space<hbm>>) target(%dma_start3A_330 : memref<128x128xf32, #tpu.memory_space<vmem>>) offsets(%dma_start3A_333 : memref<128xi32, #tpu.memory_space<vmem>>) semaphore(%arg10 : memref<!tpu.dma_semaphore, #tpu.memory_space<semaphore_mem>>)
    %dma_start3A_337 = arith.constant 14 : i32
    %dma_start3A_338 = arith.constant 512 : i32
    %dma_start3A_339 = arith.constant 0 : i32
    %dma_start3A_340 = tpu.memref_slice %arg9[%dma_start3A_338, %dma_start3A_339] : memref<640x128xf32, #tpu.memory_space<vmem>> -> memref<128x128xf32, #tpu.memory_space<vmem>>
    %dma_start3A_341 = arith.constant 0 : i32
    %dma_start3A_342 = tpu.memref_slice %arg8[%dma_start3A_337, %dma_start3A_341] : memref<20x128xi32, #tpu.memory_space<vmem>> -> memref<1x128xi32, #tpu.memory_space<vmem>>
    %dma_start3A_343 = tpu.memref_squeeze %dma_start3A_342 : memref<1x128xi32, #tpu.memory_space<vmem>> -> memref<128xi32, #tpu.memory_space<vmem>>
    %dma_start3A_344 = arith.constant 0 : i32
    %dma_start3A_345 = arith.constant 0 : i32
    %dma_start3A_346 = tpu.memref_slice %arg2[%dma_start3A_344, %dma_start3A_345] : memref<507904x128xf32, #tpu.memory_space<hbm>> -> memref<507904x128xf32, #tpu.memory_space<hbm>>
    tpu.enqueue_indirect_dma source(%dma_start3A_346 : memref<507904x128xf32, #tpu.memory_space<hbm>>) target(%dma_start3A_340 : memref<128x128xf32, #tpu.memory_space<vmem>>) offsets(%dma_start3A_343 : memref<128xi32, #tpu.memory_space<vmem>>) semaphore(%arg10 : memref<!tpu.dma_semaphore, #tpu.memory_space<semaphore_mem>>)
    %dma_wait3A_347 = arith.constant 10 : i32
    %dma_wait3A_348 = arith.constant 0 : i32
    %dma_wait3A_349 = arith.constant 0 : i32
    %dma_wait3A_350 = tpu.memref_slice %arg9[%dma_wait3A_348, %dma_wait3A_349] : memref<640x128xf32, #tpu.memory_space<vmem>> -> memref<128x128xf32, #tpu.memory_space<vmem>>
    %dma_wait3A_351 = arith.constant 0 : i32
    %dma_wait3A_352 = tpu.memref_slice %arg8[%dma_wait3A_347, %dma_wait3A_351] : memref<20x128xi32, #tpu.memory_space<vmem>> -> memref<1x128xi32, #tpu.memory_space<vmem>>
    %dma_wait3A_353 = tpu.memref_squeeze %dma_wait3A_352 : memref<1x128xi32, #tpu.memory_space<vmem>> -> memref<128xi32, #tpu.memory_space<vmem>>
    %dma_wait3A_354 = arith.constant 0 : i32
    %dma_wait3A_355 = arith.constant 0 : i32
    %dma_wait3A_356 = tpu.memref_slice %arg2[%dma_wait3A_354, %dma_wait3A_355] : memref<507904x128xf32, #tpu.memory_space<hbm>> -> memref<507904x128xf32, #tpu.memory_space<hbm>>
    tpu.wait_indirect_dma semaphore(%arg10 : memref<!tpu.dma_semaphore, #tpu.memory_space<semaphore_mem>>) src(%dma_wait3A_356 : memref<507904x128xf32, #tpu.memory_space<hbm>>) dst(%dma_wait3A_350 : memref<128x128xf32, #tpu.memory_space<vmem>>)
    %dma_wait3A_357 = arith.constant 11 : i32
    %dma_wait3A_358 = arith.constant 128 : i32
    %dma_wait3A_359 = arith.constant 0 : i32
    %dma_wait3A_360 = tpu.memref_slice %arg9[%dma_wait3A_358, %dma_wait3A_359] : memref<640x128xf32, #tpu.memory_space<vmem>> -> memref<128x128xf32, #tpu.memory_space<vmem>>
    %dma_wait3A_361 = arith.constant 0 : i32
    %dma_wait3A_362 = tpu.memref_slice %arg8[%dma_wait3A_357, %dma_wait3A_361] : memref<20x128xi32, #tpu.memory_space<vmem>> -> memref<1x128xi32, #tpu.memory_space<vmem>>
    %dma_wait3A_363 = tpu.memref_squeeze %dma_wait3A_362 : memref<1x128xi32, #tpu.memory_space<vmem>> -> memref<128xi32, #tpu.memory_space<vmem>>
    %dma_wait3A_364 = arith.constant 0 : i32
    %dma_wait3A_365 = arith.constant 0 : i32
    %dma_wait3A_366 = tpu.memref_slice %arg2[%dma_wait3A_364, %dma_wait3A_365] : memref<507904x128xf32, #tpu.memory_space<hbm>> -> memref<507904x128xf32, #tpu.memory_space<hbm>>
    tpu.wait_indirect_dma semaphore(%arg10 : memref<!tpu.dma_semaphore, #tpu.memory_space<semaphore_mem>>) src(%dma_wait3A_366 : memref<507904x128xf32, #tpu.memory_space<hbm>>) dst(%dma_wait3A_360 : memref<128x128xf32, #tpu.memory_space<vmem>>)
    %dma_wait3A_367 = arith.constant 12 : i32
    %dma_wait3A_368 = arith.constant 256 : i32
    %dma_wait3A_369 = arith.constant 0 : i32
    %dma_wait3A_370 = tpu.memref_slice %arg9[%dma_wait3A_368, %dma_wait3A_369] : memref<640x128xf32, #tpu.memory_space<vmem>> -> memref<128x128xf32, #tpu.memory_space<vmem>>
    %dma_wait3A_371 = arith.constant 0 : i32
    %dma_wait3A_372 = tpu.memref_slice %arg8[%dma_wait3A_367, %dma_wait3A_371] : memref<20x128xi32, #tpu.memory_space<vmem>> -> memref<1x128xi32, #tpu.memory_space<vmem>>
    %dma_wait3A_373 = tpu.memref_squeeze %dma_wait3A_372 : memref<1x128xi32, #tpu.memory_space<vmem>> -> memref<128xi32, #tpu.memory_space<vmem>>
    %dma_wait3A_374 = arith.constant 0 : i32
    %dma_wait3A_375 = arith.constant 0 : i32
    %dma_wait3A_376 = tpu.memref_slice %arg2[%dma_wait3A_374, %dma_wait3A_375] : memref<507904x128xf32, #tpu.memory_space<hbm>> -> memref<507904x128xf32, #tpu.memory_space<hbm>>
    tpu.wait_indirect_dma semaphore(%arg10 : memref<!tpu.dma_semaphore, #tpu.memory_space<semaphore_mem>>) src(%dma_wait3A_376 : memref<507904x128xf32, #tpu.memory_space<hbm>>) dst(%dma_wait3A_370 : memref<128x128xf32, #tpu.memory_space<vmem>>)
    %dma_wait3A_377 = arith.constant 13 : i32
    %dma_wait3A_378 = arith.constant 384 : i32
    %dma_wait3A_379 = arith.constant 0 : i32
    %dma_wait3A_380 = tpu.memref_slice %arg9[%dma_wait3A_378, %dma_wait3A_379] : memref<640x128xf32, #tpu.memory_space<vmem>> -> memref<128x128xf32, #tpu.memory_space<vmem>>
    %dma_wait3A_381 = arith.constant 0 : i32
    %dma_wait3A_382 = tpu.memref_slice %arg8[%dma_wait3A_377, %dma_wait3A_381] : memref<20x128xi32, #tpu.memory_space<vmem>> -> memref<1x128xi32, #tpu.memory_space<vmem>>
    %dma_wait3A_383 = tpu.memref_squeeze %dma_wait3A_382 : memref<1x128xi32, #tpu.memory_space<vmem>> -> memref<128xi32, #tpu.memory_space<vmem>>
    %dma_wait3A_384 = arith.constant 0 : i32
    %dma_wait3A_385 = arith.constant 0 : i32
    %dma_wait3A_386 = tpu.memref_slice %arg2[%dma_wait3A_384, %dma_wait3A_385] : memref<507904x128xf32, #tpu.memory_space<hbm>> -> memref<507904x128xf32, #tpu.memory_space<hbm>>
    tpu.wait_indirect_dma semaphore(%arg10 : memref<!tpu.dma_semaphore, #tpu.memory_space<semaphore_mem>>) src(%dma_wait3A_386 : memref<507904x128xf32, #tpu.memory_space<hbm>>) dst(%dma_wait3A_380 : memref<128x128xf32, #tpu.memory_space<vmem>>)
    %dma_wait3A_387 = arith.constant 14 : i32
    %dma_wait3A_388 = arith.constant 512 : i32
    %dma_wait3A_389 = arith.constant 0 : i32
    %dma_wait3A_390 = tpu.memref_slice %arg9[%dma_wait3A_388, %dma_wait3A_389] : memref<640x128xf32, #tpu.memory_space<vmem>> -> memref<128x128xf32, #tpu.memory_space<vmem>>
    %dma_wait3A_391 = arith.constant 0 : i32
    %dma_wait3A_392 = tpu.memref_slice %arg8[%dma_wait3A_387, %dma_wait3A_391] : memref<20x128xi32, #tpu.memory_space<vmem>> -> memref<1x128xi32, #tpu.memory_space<vmem>>
    %dma_wait3A_393 = tpu.memref_squeeze %dma_wait3A_392 : memref<1x128xi32, #tpu.memory_space<vmem>> -> memref<128xi32, #tpu.memory_space<vmem>>
    %dma_wait3A_394 = arith.constant 0 : i32
    %dma_wait3A_395 = arith.constant 0 : i32
    %dma_wait3A_396 = tpu.memref_slice %arg2[%dma_wait3A_394, %dma_wait3A_395] : memref<507904x128xf32, #tpu.memory_space<hbm>> -> memref<507904x128xf32, #tpu.memory_space<hbm>>
    tpu.wait_indirect_dma semaphore(%arg10 : memref<!tpu.dma_semaphore, #tpu.memory_space<semaphore_mem>>) src(%dma_wait3A_396 : memref<507904x128xf32, #tpu.memory_space<hbm>>) dst(%dma_wait3A_390 : memref<128x128xf32, #tpu.memory_space<vmem>>)
    %mul3A_397 = arith.constant 20 : i32
    %mul3A_398 = arith.muli %add3A, %mul3A_397 : i32
    %mul3A_399 = arith.constant 128 : i32
    %mul3A_400 = arith.muli %mul3A_398, %mul3A_399 : i32
    %add3A_401 = arith.constant 1280 : i32
    %add3A_402 = arith.addi %mul3A_400, %add3A_401 : i32
    "tpu.region"() ({
      %run_scoped3A = tpu.sem_alloc : memref<!tpu.dma_semaphore, #tpu.memory_space<semaphore_mem>>
      %dma_start3A_509 = arith.constant 0 : i32
      %dma_start3A_510 = arith.constant 0 : i32
      %dma_start3A_511 = tpu.memref_slice %arg9[%dma_start3A_509, %dma_start3A_510] : memref<640x128xf32, #tpu.memory_space<vmem>> -> memref<640x128xf32, #tpu.memory_space<vmem>>
      %dma_start3A_512 = arith.constant 0 : i32
      %dma_start3A_513 = tpu.memref_slice %arg6[%add3A_402, %dma_start3A_512] : memref<81920x128xf32, #tpu.memory_space<hbm>> -> memref<640x128xf32, #tpu.memory_space<hbm>>
      %dma_start3A_514 = arith.constant 0 : i32
      %dma_start3A_515 = tpu.memref_slice %arg6[%add3A_402, %dma_start3A_514] : memref<81920x128xf32, #tpu.memory_space<hbm>> -> memref<640x128xf32, #tpu.memory_space<hbm>>
      %dma_start3A_516 = arith.constant 0 : i32
      %dma_start3A_517 = arith.constant 0 : i32
      %dma_start3A_518 = tpu.memref_slice %arg9[%dma_start3A_516, %dma_start3A_517] : memref<640x128xf32, #tpu.memory_space<vmem>> -> memref<640x128xf32, #tpu.memory_space<vmem>>
      tpu.enqueue_dma source(%dma_start3A_518 : memref<640x128xf32, #tpu.memory_space<vmem>>) target(%dma_start3A_515 : memref<640x128xf32, #tpu.memory_space<hbm>>) target_semaphore(%run_scoped3A : memref<!tpu.dma_semaphore, #tpu.memory_space<semaphore_mem>>)
      %dma_wait3A_519 = arith.constant 0 : i32
      %dma_wait3A_520 = arith.constant 0 : i32
      %dma_wait3A_521 = tpu.memref_slice %arg9[%dma_wait3A_519, %dma_wait3A_520] : memref<640x128xf32, #tpu.memory_space<vmem>> -> memref<640x128xf32, #tpu.memory_space<vmem>>
      %dma_wait3A_522 = arith.constant 0 : i32
      %dma_wait3A_523 = tpu.memref_slice %arg6[%add3A_402, %dma_wait3A_522] : memref<81920x128xf32, #tpu.memory_space<hbm>> -> memref<640x128xf32, #tpu.memory_space<hbm>>
      %dma_wait3A_524 = arith.constant 0 : i32
      %dma_wait3A_525 = tpu.memref_slice %arg6[%add3A_402, %dma_wait3A_524] : memref<81920x128xf32, #tpu.memory_space<hbm>> -> memref<640x128xf32, #tpu.memory_space<hbm>>
      %dma_wait3A_526 = arith.constant 0 : i32
      %dma_wait3A_527 = arith.constant 0 : i32
      %dma_wait3A_528 = tpu.memref_slice %arg9[%dma_wait3A_526, %dma_wait3A_527] : memref<640x128xf32, #tpu.memory_space<vmem>> -> memref<640x128xf32, #tpu.memory_space<vmem>>
      tpu.wait_dma2 semaphore(%run_scoped3A : memref<!tpu.dma_semaphore, #tpu.memory_space<semaphore_mem>>) src(%dma_wait3A_528 : memref<640x128xf32, #tpu.memory_space<vmem>>) dst(%dma_wait3A_525 : memref<640x128xf32, #tpu.memory_space<hbm>>)
      tpu.yield
    }) : () -> ()
    %dma_start3A_403 = arith.constant 15 : i32
    %dma_start3A_404 = arith.constant 0 : i32
    %dma_start3A_405 = arith.constant 0 : i32
    %dma_start3A_406 = tpu.memref_slice %arg9[%dma_start3A_404, %dma_start3A_405] : memref<640x128xf32, #tpu.memory_space<vmem>> -> memref<128x128xf32, #tpu.memory_space<vmem>>
    %dma_start3A_407 = arith.constant 0 : i32
    %dma_start3A_408 = tpu.memref_slice %arg8[%dma_start3A_403, %dma_start3A_407] : memref<20x128xi32, #tpu.memory_space<vmem>> -> memref<1x128xi32, #tpu.memory_space<vmem>>
    %dma_start3A_409 = tpu.memref_squeeze %dma_start3A_408 : memref<1x128xi32, #tpu.memory_space<vmem>> -> memref<128xi32, #tpu.memory_space<vmem>>
    %dma_start3A_410 = arith.constant 0 : i32
    %dma_start3A_411 = arith.constant 0 : i32
    %dma_start3A_412 = tpu.memref_slice %arg2[%dma_start3A_410, %dma_start3A_411] : memref<507904x128xf32, #tpu.memory_space<hbm>> -> memref<507904x128xf32, #tpu.memory_space<hbm>>
    tpu.enqueue_indirect_dma source(%dma_start3A_412 : memref<507904x128xf32, #tpu.memory_space<hbm>>) target(%dma_start3A_406 : memref<128x128xf32, #tpu.memory_space<vmem>>) offsets(%dma_start3A_409 : memref<128xi32, #tpu.memory_space<vmem>>) semaphore(%arg10 : memref<!tpu.dma_semaphore, #tpu.memory_space<semaphore_mem>>)
    %dma_start3A_413 = arith.constant 16 : i32
    %dma_start3A_414 = arith.constant 128 : i32
    %dma_start3A_415 = arith.constant 0 : i32
    %dma_start3A_416 = tpu.memref_slice %arg9[%dma_start3A_414, %dma_start3A_415] : memref<640x128xf32, #tpu.memory_space<vmem>> -> memref<128x128xf32, #tpu.memory_space<vmem>>
    %dma_start3A_417 = arith.constant 0 : i32
    %dma_start3A_418 = tpu.memref_slice %arg8[%dma_start3A_413, %dma_start3A_417] : memref<20x128xi32, #tpu.memory_space<vmem>> -> memref<1x128xi32, #tpu.memory_space<vmem>>
    %dma_start3A_419 = tpu.memref_squeeze %dma_start3A_418 : memref<1x128xi32, #tpu.memory_space<vmem>> -> memref<128xi32, #tpu.memory_space<vmem>>
    %dma_start3A_420 = arith.constant 0 : i32
    %dma_start3A_421 = arith.constant 0 : i32
    %dma_start3A_422 = tpu.memref_slice %arg2[%dma_start3A_420, %dma_start3A_421] : memref<507904x128xf32, #tpu.memory_space<hbm>> -> memref<507904x128xf32, #tpu.memory_space<hbm>>
    tpu.enqueue_indirect_dma source(%dma_start3A_422 : memref<507904x128xf32, #tpu.memory_space<hbm>>) target(%dma_start3A_416 : memref<128x128xf32, #tpu.memory_space<vmem>>) offsets(%dma_start3A_419 : memref<128xi32, #tpu.memory_space<vmem>>) semaphore(%arg10 : memref<!tpu.dma_semaphore, #tpu.memory_space<semaphore_mem>>)
    %dma_start3A_423 = arith.constant 17 : i32
    %dma_start3A_424 = arith.constant 256 : i32
    %dma_start3A_425 = arith.constant 0 : i32
    %dma_start3A_426 = tpu.memref_slice %arg9[%dma_start3A_424, %dma_start3A_425] : memref<640x128xf32, #tpu.memory_space<vmem>> -> memref<128x128xf32, #tpu.memory_space<vmem>>
    %dma_start3A_427 = arith.constant 0 : i32
    %dma_start3A_428 = tpu.memref_slice %arg8[%dma_start3A_423, %dma_start3A_427] : memref<20x128xi32, #tpu.memory_space<vmem>> -> memref<1x128xi32, #tpu.memory_space<vmem>>
    %dma_start3A_429 = tpu.memref_squeeze %dma_start3A_428 : memref<1x128xi32, #tpu.memory_space<vmem>> -> memref<128xi32, #tpu.memory_space<vmem>>
    %dma_start3A_430 = arith.constant 0 : i32
    %dma_start3A_431 = arith.constant 0 : i32
    %dma_start3A_432 = tpu.memref_slice %arg2[%dma_start3A_430, %dma_start3A_431] : memref<507904x128xf32, #tpu.memory_space<hbm>> -> memref<507904x128xf32, #tpu.memory_space<hbm>>
    tpu.enqueue_indirect_dma source(%dma_start3A_432 : memref<507904x128xf32, #tpu.memory_space<hbm>>) target(%dma_start3A_426 : memref<128x128xf32, #tpu.memory_space<vmem>>) offsets(%dma_start3A_429 : memref<128xi32, #tpu.memory_space<vmem>>) semaphore(%arg10 : memref<!tpu.dma_semaphore, #tpu.memory_space<semaphore_mem>>)
    %dma_start3A_433 = arith.constant 18 : i32
    %dma_start3A_434 = arith.constant 384 : i32
    %dma_start3A_435 = arith.constant 0 : i32
    %dma_start3A_436 = tpu.memref_slice %arg9[%dma_start3A_434, %dma_start3A_435] : memref<640x128xf32, #tpu.memory_space<vmem>> -> memref<128x128xf32, #tpu.memory_space<vmem>>
    %dma_start3A_437 = arith.constant 0 : i32
    %dma_start3A_438 = tpu.memref_slice %arg8[%dma_start3A_433, %dma_start3A_437] : memref<20x128xi32, #tpu.memory_space<vmem>> -> memref<1x128xi32, #tpu.memory_space<vmem>>
    %dma_start3A_439 = tpu.memref_squeeze %dma_start3A_438 : memref<1x128xi32, #tpu.memory_space<vmem>> -> memref<128xi32, #tpu.memory_space<vmem>>
    %dma_start3A_440 = arith.constant 0 : i32
    %dma_start3A_441 = arith.constant 0 : i32
    %dma_start3A_442 = tpu.memref_slice %arg2[%dma_start3A_440, %dma_start3A_441] : memref<507904x128xf32, #tpu.memory_space<hbm>> -> memref<507904x128xf32, #tpu.memory_space<hbm>>
    tpu.enqueue_indirect_dma source(%dma_start3A_442 : memref<507904x128xf32, #tpu.memory_space<hbm>>) target(%dma_start3A_436 : memref<128x128xf32, #tpu.memory_space<vmem>>) offsets(%dma_start3A_439 : memref<128xi32, #tpu.memory_space<vmem>>) semaphore(%arg10 : memref<!tpu.dma_semaphore, #tpu.memory_space<semaphore_mem>>)
    %dma_start3A_443 = arith.constant 19 : i32
    %dma_start3A_444 = arith.constant 512 : i32
    %dma_start3A_445 = arith.constant 0 : i32
    %dma_start3A_446 = tpu.memref_slice %arg9[%dma_start3A_444, %dma_start3A_445] : memref<640x128xf32, #tpu.memory_space<vmem>> -> memref<128x128xf32, #tpu.memory_space<vmem>>
    %dma_start3A_447 = arith.constant 0 : i32
    %dma_start3A_448 = tpu.memref_slice %arg8[%dma_start3A_443, %dma_start3A_447] : memref<20x128xi32, #tpu.memory_space<vmem>> -> memref<1x128xi32, #tpu.memory_space<vmem>>
    %dma_start3A_449 = tpu.memref_squeeze %dma_start3A_448 : memref<1x128xi32, #tpu.memory_space<vmem>> -> memref<128xi32, #tpu.memory_space<vmem>>
    %dma_start3A_450 = arith.constant 0 : i32
    %dma_start3A_451 = arith.constant 0 : i32
    %dma_start3A_452 = tpu.memref_slice %arg2[%dma_start3A_450, %dma_start3A_451] : memref<507904x128xf32, #tpu.memory_space<hbm>> -> memref<507904x128xf32, #tpu.memory_space<hbm>>
    tpu.enqueue_indirect_dma source(%dma_start3A_452 : memref<507904x128xf32, #tpu.memory_space<hbm>>) target(%dma_start3A_446 : memref<128x128xf32, #tpu.memory_space<vmem>>) offsets(%dma_start3A_449 : memref<128xi32, #tpu.memory_space<vmem>>) semaphore(%arg10 : memref<!tpu.dma_semaphore, #tpu.memory_space<semaphore_mem>>)
    %dma_wait3A_453 = arith.constant 15 : i32
    %dma_wait3A_454 = arith.constant 0 : i32
    %dma_wait3A_455 = arith.constant 0 : i32
    %dma_wait3A_456 = tpu.memref_slice %arg9[%dma_wait3A_454, %dma_wait3A_455] : memref<640x128xf32, #tpu.memory_space<vmem>> -> memref<128x128xf32, #tpu.memory_space<vmem>>
    %dma_wait3A_457 = arith.constant 0 : i32
    %dma_wait3A_458 = tpu.memref_slice %arg8[%dma_wait3A_453, %dma_wait3A_457] : memref<20x128xi32, #tpu.memory_space<vmem>> -> memref<1x128xi32, #tpu.memory_space<vmem>>
    %dma_wait3A_459 = tpu.memref_squeeze %dma_wait3A_458 : memref<1x128xi32, #tpu.memory_space<vmem>> -> memref<128xi32, #tpu.memory_space<vmem>>
    %dma_wait3A_460 = arith.constant 0 : i32
    %dma_wait3A_461 = arith.constant 0 : i32
    %dma_wait3A_462 = tpu.memref_slice %arg2[%dma_wait3A_460, %dma_wait3A_461] : memref<507904x128xf32, #tpu.memory_space<hbm>> -> memref<507904x128xf32, #tpu.memory_space<hbm>>
    tpu.wait_indirect_dma semaphore(%arg10 : memref<!tpu.dma_semaphore, #tpu.memory_space<semaphore_mem>>) src(%dma_wait3A_462 : memref<507904x128xf32, #tpu.memory_space<hbm>>) dst(%dma_wait3A_456 : memref<128x128xf32, #tpu.memory_space<vmem>>)
    %dma_wait3A_463 = arith.constant 16 : i32
    %dma_wait3A_464 = arith.constant 128 : i32
    %dma_wait3A_465 = arith.constant 0 : i32
    %dma_wait3A_466 = tpu.memref_slice %arg9[%dma_wait3A_464, %dma_wait3A_465] : memref<640x128xf32, #tpu.memory_space<vmem>> -> memref<128x128xf32, #tpu.memory_space<vmem>>
    %dma_wait3A_467 = arith.constant 0 : i32
    %dma_wait3A_468 = tpu.memref_slice %arg8[%dma_wait3A_463, %dma_wait3A_467] : memref<20x128xi32, #tpu.memory_space<vmem>> -> memref<1x128xi32, #tpu.memory_space<vmem>>
    %dma_wait3A_469 = tpu.memref_squeeze %dma_wait3A_468 : memref<1x128xi32, #tpu.memory_space<vmem>> -> memref<128xi32, #tpu.memory_space<vmem>>
    %dma_wait3A_470 = arith.constant 0 : i32
    %dma_wait3A_471 = arith.constant 0 : i32
    %dma_wait3A_472 = tpu.memref_slice %arg2[%dma_wait3A_470, %dma_wait3A_471] : memref<507904x128xf32, #tpu.memory_space<hbm>> -> memref<507904x128xf32, #tpu.memory_space<hbm>>
    tpu.wait_indirect_dma semaphore(%arg10 : memref<!tpu.dma_semaphore, #tpu.memory_space<semaphore_mem>>) src(%dma_wait3A_472 : memref<507904x128xf32, #tpu.memory_space<hbm>>) dst(%dma_wait3A_466 : memref<128x128xf32, #tpu.memory_space<vmem>>)
    %dma_wait3A_473 = arith.constant 17 : i32
    %dma_wait3A_474 = arith.constant 256 : i32
    %dma_wait3A_475 = arith.constant 0 : i32
    %dma_wait3A_476 = tpu.memref_slice %arg9[%dma_wait3A_474, %dma_wait3A_475] : memref<640x128xf32, #tpu.memory_space<vmem>> -> memref<128x128xf32, #tpu.memory_space<vmem>>
    %dma_wait3A_477 = arith.constant 0 : i32
    %dma_wait3A_478 = tpu.memref_slice %arg8[%dma_wait3A_473, %dma_wait3A_477] : memref<20x128xi32, #tpu.memory_space<vmem>> -> memref<1x128xi32, #tpu.memory_space<vmem>>
    %dma_wait3A_479 = tpu.memref_squeeze %dma_wait3A_478 : memref<1x128xi32, #tpu.memory_space<vmem>> -> memref<128xi32, #tpu.memory_space<vmem>>
    %dma_wait3A_480 = arith.constant 0 : i32
    %dma_wait3A_481 = arith.constant 0 : i32
    %dma_wait3A_482 = tpu.memref_slice %arg2[%dma_wait3A_480, %dma_wait3A_481] : memref<507904x128xf32, #tpu.memory_space<hbm>> -> memref<507904x128xf32, #tpu.memory_space<hbm>>
    tpu.wait_indirect_dma semaphore(%arg10 : memref<!tpu.dma_semaphore, #tpu.memory_space<semaphore_mem>>) src(%dma_wait3A_482 : memref<507904x128xf32, #tpu.memory_space<hbm>>) dst(%dma_wait3A_476 : memref<128x128xf32, #tpu.memory_space<vmem>>)
    %dma_wait3A_483 = arith.constant 18 : i32
    %dma_wait3A_484 = arith.constant 384 : i32
    %dma_wait3A_485 = arith.constant 0 : i32
    %dma_wait3A_486 = tpu.memref_slice %arg9[%dma_wait3A_484, %dma_wait3A_485] : memref<640x128xf32, #tpu.memory_space<vmem>> -> memref<128x128xf32, #tpu.memory_space<vmem>>
    %dma_wait3A_487 = arith.constant 0 : i32
    %dma_wait3A_488 = tpu.memref_slice %arg8[%dma_wait3A_483, %dma_wait3A_487] : memref<20x128xi32, #tpu.memory_space<vmem>> -> memref<1x128xi32, #tpu.memory_space<vmem>>
    %dma_wait3A_489 = tpu.memref_squeeze %dma_wait3A_488 : memref<1x128xi32, #tpu.memory_space<vmem>> -> memref<128xi32, #tpu.memory_space<vmem>>
    %dma_wait3A_490 = arith.constant 0 : i32
    %dma_wait3A_491 = arith.constant 0 : i32
    %dma_wait3A_492 = tpu.memref_slice %arg2[%dma_wait3A_490, %dma_wait3A_491] : memref<507904x128xf32, #tpu.memory_space<hbm>> -> memref<507904x128xf32, #tpu.memory_space<hbm>>
    tpu.wait_indirect_dma semaphore(%arg10 : memref<!tpu.dma_semaphore, #tpu.memory_space<semaphore_mem>>) src(%dma_wait3A_492 : memref<507904x128xf32, #tpu.memory_space<hbm>>) dst(%dma_wait3A_486 : memref<128x128xf32, #tpu.memory_space<vmem>>)
    %dma_wait3A_493 = arith.constant 19 : i32
    %dma_wait3A_494 = arith.constant 512 : i32
    %dma_wait3A_495 = arith.constant 0 : i32
    %dma_wait3A_496 = tpu.memref_slice %arg9[%dma_wait3A_494, %dma_wait3A_495] : memref<640x128xf32, #tpu.memory_space<vmem>> -> memref<128x128xf32, #tpu.memory_space<vmem>>
    %dma_wait3A_497 = arith.constant 0 : i32
    %dma_wait3A_498 = tpu.memref_slice %arg8[%dma_wait3A_493, %dma_wait3A_497] : memref<20x128xi32, #tpu.memory_space<vmem>> -> memref<1x128xi32, #tpu.memory_space<vmem>>
    %dma_wait3A_499 = tpu.memref_squeeze %dma_wait3A_498 : memref<1x128xi32, #tpu.memory_space<vmem>> -> memref<128xi32, #tpu.memory_space<vmem>>
    %dma_wait3A_500 = arith.constant 0 : i32
    %dma_wait3A_501 = arith.constant 0 : i32
    %dma_wait3A_502 = tpu.memref_slice %arg2[%dma_wait3A_500, %dma_wait3A_501] : memref<507904x128xf32, #tpu.memory_space<hbm>> -> memref<507904x128xf32, #tpu.memory_space<hbm>>
    tpu.wait_indirect_dma semaphore(%arg10 : memref<!tpu.dma_semaphore, #tpu.memory_space<semaphore_mem>>) src(%dma_wait3A_502 : memref<507904x128xf32, #tpu.memory_space<hbm>>) dst(%dma_wait3A_496 : memref<128x128xf32, #tpu.memory_space<vmem>>)
    %mul3A_503 = arith.constant 20 : i32
    %mul3A_504 = arith.muli %add3A, %mul3A_503 : i32
    %mul3A_505 = arith.constant 128 : i32
    %mul3A_506 = arith.muli %mul3A_504, %mul3A_505 : i32
    %add3A_507 = arith.constant 1920 : i32
    %add3A_508 = arith.addi %mul3A_506, %add3A_507 : i32
    "tpu.region"() ({
      %run_scoped3A = tpu.sem_alloc : memref<!tpu.dma_semaphore, #tpu.memory_space<semaphore_mem>>
      %dma_start3A_509 = arith.constant 0 : i32
      %dma_start3A_510 = arith.constant 0 : i32
      %dma_start3A_511 = tpu.memref_slice %arg9[%dma_start3A_509, %dma_start3A_510] : memref<640x128xf32, #tpu.memory_space<vmem>> -> memref<640x128xf32, #tpu.memory_space<vmem>>
      %dma_start3A_512 = arith.constant 0 : i32
      %dma_start3A_513 = tpu.memref_slice %arg6[%add3A_508, %dma_start3A_512] : memref<81920x128xf32, #tpu.memory_space<hbm>> -> memref<640x128xf32, #tpu.memory_space<hbm>>
      %dma_start3A_514 = arith.constant 0 : i32
      %dma_start3A_515 = tpu.memref_slice %arg6[%add3A_508, %dma_start3A_514] : memref<81920x128xf32, #tpu.memory_space<hbm>> -> memref<640x128xf32, #tpu.memory_space<hbm>>
      %dma_start3A_516 = arith.constant 0 : i32
      %dma_start3A_517 = arith.constant 0 : i32
      %dma_start3A_518 = tpu.memref_slice %arg9[%dma_start3A_516, %dma_start3A_517] : memref<640x128xf32, #tpu.memory_space<vmem>> -> memref<640x128xf32, #tpu.memory_space<vmem>>
      tpu.enqueue_dma source(%dma_start3A_518 : memref<640x128xf32, #tpu.memory_space<vmem>>) target(%dma_start3A_515 : memref<640x128xf32, #tpu.memory_space<hbm>>) target_semaphore(%run_scoped3A : memref<!tpu.dma_semaphore, #tpu.memory_space<semaphore_mem>>)
      %dma_wait3A_519 = arith.constant 0 : i32
      %dma_wait3A_520 = arith.constant 0 : i32
      %dma_wait3A_521 = tpu.memref_slice %arg9[%dma_wait3A_519, %dma_wait3A_520] : memref<640x128xf32, #tpu.memory_space<vmem>> -> memref<640x128xf32, #tpu.memory_space<vmem>>
      %dma_wait3A_522 = arith.constant 0 : i32
      %dma_wait3A_523 = tpu.memref_slice %arg6[%add3A_508, %dma_wait3A_522] : memref<81920x128xf32, #tpu.memory_space<hbm>> -> memref<640x128xf32, #tpu.memory_space<hbm>>
      %dma_wait3A_524 = arith.constant 0 : i32
      %dma_wait3A_525 = tpu.memref_slice %arg6[%add3A_508, %dma_wait3A_524] : memref<81920x128xf32, #tpu.memory_space<hbm>> -> memref<640x128xf32, #tpu.memory_space<hbm>>
      %dma_wait3A_526 = arith.constant 0 : i32
      %dma_wait3A_527 = arith.constant 0 : i32
      %dma_wait3A_528 = tpu.memref_slice %arg9[%dma_wait3A_526, %dma_wait3A_527] : memref<640x128xf32, #tpu.memory_space<vmem>> -> memref<640x128xf32, #tpu.memory_space<vmem>>
      tpu.wait_dma2 semaphore(%run_scoped3A : memref<!tpu.dma_semaphore, #tpu.memory_space<semaphore_mem>>) src(%dma_wait3A_528 : memref<640x128xf32, #tpu.memory_space<vmem>>) dst(%dma_wait3A_525 : memref<640x128xf32, #tpu.memory_space<hbm>>)
      tpu.yield
    }) : () -> ()
    return
  }
}

#map = affine_map<(d0, d1) -> (0, 0)>
#map1 = affine_map<(d0, d1) -> (0, 0, 0)>
module attributes {stable_mosaic.version = 14 : i64} {
  func.func @gather(%arg0: i32, %arg1: i32, %arg2: memref<507904x128xf32, #tpu.memory_space<hbm>>, %arg3: memref<32x4x128xi32, #tpu.memory_space<hbm>>, %arg4: memref<16384x128xf32, #tpu.memory_space<hbm>>, %arg5: memref<4x128xi32, #tpu.memory_space<vmem>>, %arg6: memref<640x128xf32, #tpu.memory_space<vmem>>, %arg7: memref<!tpu.dma_semaphore, #tpu.memory_space<semaphore_mem>>) attributes {dimension_semantics = [#tpu.dimension_semantics<core_parallel>, #tpu.dimension_semantics<subcore_parallel>], iteration_bounds = array<i64: 2, 16>, scalar_prefetch = 0 : i64, scratch_operands = 3 : i64, tpu.core_type = #tpu.core_type<sc_vector_subcore>, window_params = [{transform_indices = #map}, {transform_indices = #map1}, {transform_indices = #map}]} {
    %mul3A = arith.constant 2 : i32
    %mul3A_0 = arith.muli %arg1, %mul3A : i32
    %add3A = arith.addi %mul3A_0, %arg0 : i32
    "tpu.region"() ({
      %run_scoped3A = tpu.sem_alloc : memref<!tpu.dma_semaphore, #tpu.memory_space<semaphore_mem>>
      %dma_start3A_85 = arith.constant 0 : i32
      %dma_start3A_86 = arith.constant 0 : i32
      %dma_start3A_87 = tpu.memref_slice %arg3[%add3A, %dma_start3A_85, %dma_start3A_86] : memref<32x4x128xi32, #tpu.memory_space<hbm>> -> memref<1x4x128xi32, #tpu.memory_space<hbm>>
      %dma_start3A_88 = tpu.memref_squeeze %dma_start3A_87 : memref<1x4x128xi32, #tpu.memory_space<hbm>> -> memref<4x128xi32, #tpu.memory_space<hbm>>
      %dma_start3A_89 = arith.constant 0 : i32
      %dma_start3A_90 = arith.constant 0 : i32
      %dma_start3A_91 = tpu.memref_slice %arg3[%add3A, %dma_start3A_89, %dma_start3A_90] : memref<32x4x128xi32, #tpu.memory_space<hbm>> -> memref<1x4x128xi32, #tpu.memory_space<hbm>>
      %dma_start3A_92 = tpu.memref_squeeze %dma_start3A_91 : memref<1x4x128xi32, #tpu.memory_space<hbm>> -> memref<4x128xi32, #tpu.memory_space<hbm>>
      tpu.enqueue_dma source(%dma_start3A_92 : memref<4x128xi32, #tpu.memory_space<hbm>>) target(%arg5 : memref<4x128xi32, #tpu.memory_space<vmem>>) target_semaphore(%run_scoped3A : memref<!tpu.dma_semaphore, #tpu.memory_space<semaphore_mem>>)
      %dma_wait3A_93 = arith.constant 0 : i32
      %dma_wait3A_94 = arith.constant 0 : i32
      %dma_wait3A_95 = tpu.memref_slice %arg3[%add3A, %dma_wait3A_93, %dma_wait3A_94] : memref<32x4x128xi32, #tpu.memory_space<hbm>> -> memref<1x4x128xi32, #tpu.memory_space<hbm>>
      %dma_wait3A_96 = tpu.memref_squeeze %dma_wait3A_95 : memref<1x4x128xi32, #tpu.memory_space<hbm>> -> memref<4x128xi32, #tpu.memory_space<hbm>>
      %dma_wait3A_97 = arith.constant 0 : i32
      %dma_wait3A_98 = arith.constant 0 : i32
      %dma_wait3A_99 = tpu.memref_slice %arg3[%add3A, %dma_wait3A_97, %dma_wait3A_98] : memref<32x4x128xi32, #tpu.memory_space<hbm>> -> memref<1x4x128xi32, #tpu.memory_space<hbm>>
      %dma_wait3A_100 = tpu.memref_squeeze %dma_wait3A_99 : memref<1x4x128xi32, #tpu.memory_space<hbm>> -> memref<4x128xi32, #tpu.memory_space<hbm>>
      tpu.wait_dma2 semaphore(%run_scoped3A : memref<!tpu.dma_semaphore, #tpu.memory_space<semaphore_mem>>) src(%dma_wait3A_100 : memref<4x128xi32, #tpu.memory_space<hbm>>) dst(%arg5 : memref<4x128xi32, #tpu.memory_space<vmem>>)
      tpu.yield
    }) : () -> ()
    %dma_start3A = arith.constant 0 : i32
    %dma_start3A_1 = arith.constant 0 : i32
    %dma_start3A_2 = arith.constant 0 : i32
    %dma_start3A_3 = tpu.memref_slice %arg6[%dma_start3A_1, %dma_start3A_2] : memref<640x128xf32, #tpu.memory_space<vmem>> -> memref<128x128xf32, #tpu.memory_space<vmem>>
    %dma_start3A_4 = arith.constant 0 : i32
    %dma_start3A_5 = tpu.memref_slice %arg5[%dma_start3A, %dma_start3A_4] : memref<4x128xi32, #tpu.memory_space<vmem>> -> memref<1x128xi32, #tpu.memory_space<vmem>>
    %dma_start3A_6 = tpu.memref_squeeze %dma_start3A_5 : memref<1x128xi32, #tpu.memory_space<vmem>> -> memref<128xi32, #tpu.memory_space<vmem>>
    %dma_start3A_7 = arith.constant 0 : i32
    %dma_start3A_8 = arith.constant 0 : i32
    %dma_start3A_9 = tpu.memref_slice %arg2[%dma_start3A_7, %dma_start3A_8] : memref<507904x128xf32, #tpu.memory_space<hbm>> -> memref<507904x128xf32, #tpu.memory_space<hbm>>
    tpu.enqueue_indirect_dma source(%dma_start3A_9 : memref<507904x128xf32, #tpu.memory_space<hbm>>) target(%dma_start3A_3 : memref<128x128xf32, #tpu.memory_space<vmem>>) offsets(%dma_start3A_6 : memref<128xi32, #tpu.memory_space<vmem>>) semaphore(%arg7 : memref<!tpu.dma_semaphore, #tpu.memory_space<semaphore_mem>>)
    %dma_start3A_10 = arith.constant 1 : i32
    %dma_start3A_11 = arith.constant 128 : i32
    %dma_start3A_12 = arith.constant 0 : i32
    %dma_start3A_13 = tpu.memref_slice %arg6[%dma_start3A_11, %dma_start3A_12] : memref<640x128xf32, #tpu.memory_space<vmem>> -> memref<128x128xf32, #tpu.memory_space<vmem>>
    %dma_start3A_14 = arith.constant 0 : i32
    %dma_start3A_15 = tpu.memref_slice %arg5[%dma_start3A_10, %dma_start3A_14] : memref<4x128xi32, #tpu.memory_space<vmem>> -> memref<1x128xi32, #tpu.memory_space<vmem>>
    %dma_start3A_16 = tpu.memref_squeeze %dma_start3A_15 : memref<1x128xi32, #tpu.memory_space<vmem>> -> memref<128xi32, #tpu.memory_space<vmem>>
    %dma_start3A_17 = arith.constant 0 : i32
    %dma_start3A_18 = arith.constant 0 : i32
    %dma_start3A_19 = tpu.memref_slice %arg2[%dma_start3A_17, %dma_start3A_18] : memref<507904x128xf32, #tpu.memory_space<hbm>> -> memref<507904x128xf32, #tpu.memory_space<hbm>>
    tpu.enqueue_indirect_dma source(%dma_start3A_19 : memref<507904x128xf32, #tpu.memory_space<hbm>>) target(%dma_start3A_13 : memref<128x128xf32, #tpu.memory_space<vmem>>) offsets(%dma_start3A_16 : memref<128xi32, #tpu.memory_space<vmem>>) semaphore(%arg7 : memref<!tpu.dma_semaphore, #tpu.memory_space<semaphore_mem>>)
    %dma_start3A_20 = arith.constant 2 : i32
    %dma_start3A_21 = arith.constant 256 : i32
    %dma_start3A_22 = arith.constant 0 : i32
    %dma_start3A_23 = tpu.memref_slice %arg6[%dma_start3A_21, %dma_start3A_22] : memref<640x128xf32, #tpu.memory_space<vmem>> -> memref<128x128xf32, #tpu.memory_space<vmem>>
    %dma_start3A_24 = arith.constant 0 : i32
    %dma_start3A_25 = tpu.memref_slice %arg5[%dma_start3A_20, %dma_start3A_24] : memref<4x128xi32, #tpu.memory_space<vmem>> -> memref<1x128xi32, #tpu.memory_space<vmem>>
    %dma_start3A_26 = tpu.memref_squeeze %dma_start3A_25 : memref<1x128xi32, #tpu.memory_space<vmem>> -> memref<128xi32, #tpu.memory_space<vmem>>
    %dma_start3A_27 = arith.constant 0 : i32
    %dma_start3A_28 = arith.constant 0 : i32
    %dma_start3A_29 = tpu.memref_slice %arg2[%dma_start3A_27, %dma_start3A_28] : memref<507904x128xf32, #tpu.memory_space<hbm>> -> memref<507904x128xf32, #tpu.memory_space<hbm>>
    tpu.enqueue_indirect_dma source(%dma_start3A_29 : memref<507904x128xf32, #tpu.memory_space<hbm>>) target(%dma_start3A_23 : memref<128x128xf32, #tpu.memory_space<vmem>>) offsets(%dma_start3A_26 : memref<128xi32, #tpu.memory_space<vmem>>) semaphore(%arg7 : memref<!tpu.dma_semaphore, #tpu.memory_space<semaphore_mem>>)
    %dma_start3A_30 = arith.constant 3 : i32
    %dma_start3A_31 = arith.constant 384 : i32
    %dma_start3A_32 = arith.constant 0 : i32
    %dma_start3A_33 = tpu.memref_slice %arg6[%dma_start3A_31, %dma_start3A_32] : memref<640x128xf32, #tpu.memory_space<vmem>> -> memref<128x128xf32, #tpu.memory_space<vmem>>
    %dma_start3A_34 = arith.constant 0 : i32
    %dma_start3A_35 = tpu.memref_slice %arg5[%dma_start3A_30, %dma_start3A_34] : memref<4x128xi32, #tpu.memory_space<vmem>> -> memref<1x128xi32, #tpu.memory_space<vmem>>
    %dma_start3A_36 = tpu.memref_squeeze %dma_start3A_35 : memref<1x128xi32, #tpu.memory_space<vmem>> -> memref<128xi32, #tpu.memory_space<vmem>>
    %dma_start3A_37 = arith.constant 0 : i32
    %dma_start3A_38 = arith.constant 0 : i32
    %dma_start3A_39 = tpu.memref_slice %arg2[%dma_start3A_37, %dma_start3A_38] : memref<507904x128xf32, #tpu.memory_space<hbm>> -> memref<507904x128xf32, #tpu.memory_space<hbm>>
    tpu.enqueue_indirect_dma source(%dma_start3A_39 : memref<507904x128xf32, #tpu.memory_space<hbm>>) target(%dma_start3A_33 : memref<128x128xf32, #tpu.memory_space<vmem>>) offsets(%dma_start3A_36 : memref<128xi32, #tpu.memory_space<vmem>>) semaphore(%arg7 : memref<!tpu.dma_semaphore, #tpu.memory_space<semaphore_mem>>)
    %dma_wait3A = arith.constant 0 : i32
    %dma_wait3A_40 = arith.constant 0 : i32
    %dma_wait3A_41 = arith.constant 0 : i32
    %dma_wait3A_42 = tpu.memref_slice %arg6[%dma_wait3A_40, %dma_wait3A_41] : memref<640x128xf32, #tpu.memory_space<vmem>> -> memref<128x128xf32, #tpu.memory_space<vmem>>
    %dma_wait3A_43 = arith.constant 0 : i32
    %dma_wait3A_44 = tpu.memref_slice %arg5[%dma_wait3A, %dma_wait3A_43] : memref<4x128xi32, #tpu.memory_space<vmem>> -> memref<1x128xi32, #tpu.memory_space<vmem>>
    %dma_wait3A_45 = tpu.memref_squeeze %dma_wait3A_44 : memref<1x128xi32, #tpu.memory_space<vmem>> -> memref<128xi32, #tpu.memory_space<vmem>>
    %dma_wait3A_46 = arith.constant 0 : i32
    %dma_wait3A_47 = arith.constant 0 : i32
    %dma_wait3A_48 = tpu.memref_slice %arg2[%dma_wait3A_46, %dma_wait3A_47] : memref<507904x128xf32, #tpu.memory_space<hbm>> -> memref<507904x128xf32, #tpu.memory_space<hbm>>
    tpu.wait_indirect_dma semaphore(%arg7 : memref<!tpu.dma_semaphore, #tpu.memory_space<semaphore_mem>>) src(%dma_wait3A_48 : memref<507904x128xf32, #tpu.memory_space<hbm>>) dst(%dma_wait3A_42 : memref<128x128xf32, #tpu.memory_space<vmem>>)
    %dma_wait3A_49 = arith.constant 1 : i32
    %dma_wait3A_50 = arith.constant 128 : i32
    %dma_wait3A_51 = arith.constant 0 : i32
    %dma_wait3A_52 = tpu.memref_slice %arg6[%dma_wait3A_50, %dma_wait3A_51] : memref<640x128xf32, #tpu.memory_space<vmem>> -> memref<128x128xf32, #tpu.memory_space<vmem>>
    %dma_wait3A_53 = arith.constant 0 : i32
    %dma_wait3A_54 = tpu.memref_slice %arg5[%dma_wait3A_49, %dma_wait3A_53] : memref<4x128xi32, #tpu.memory_space<vmem>> -> memref<1x128xi32, #tpu.memory_space<vmem>>
    %dma_wait3A_55 = tpu.memref_squeeze %dma_wait3A_54 : memref<1x128xi32, #tpu.memory_space<vmem>> -> memref<128xi32, #tpu.memory_space<vmem>>
    %dma_wait3A_56 = arith.constant 0 : i32
    %dma_wait3A_57 = arith.constant 0 : i32
    %dma_wait3A_58 = tpu.memref_slice %arg2[%dma_wait3A_56, %dma_wait3A_57] : memref<507904x128xf32, #tpu.memory_space<hbm>> -> memref<507904x128xf32, #tpu.memory_space<hbm>>
    tpu.wait_indirect_dma semaphore(%arg7 : memref<!tpu.dma_semaphore, #tpu.memory_space<semaphore_mem>>) src(%dma_wait3A_58 : memref<507904x128xf32, #tpu.memory_space<hbm>>) dst(%dma_wait3A_52 : memref<128x128xf32, #tpu.memory_space<vmem>>)
    %dma_wait3A_59 = arith.constant 2 : i32
    %dma_wait3A_60 = arith.constant 256 : i32
    %dma_wait3A_61 = arith.constant 0 : i32
    %dma_wait3A_62 = tpu.memref_slice %arg6[%dma_wait3A_60, %dma_wait3A_61] : memref<640x128xf32, #tpu.memory_space<vmem>> -> memref<128x128xf32, #tpu.memory_space<vmem>>
    %dma_wait3A_63 = arith.constant 0 : i32
    %dma_wait3A_64 = tpu.memref_slice %arg5[%dma_wait3A_59, %dma_wait3A_63] : memref<4x128xi32, #tpu.memory_space<vmem>> -> memref<1x128xi32, #tpu.memory_space<vmem>>
    %dma_wait3A_65 = tpu.memref_squeeze %dma_wait3A_64 : memref<1x128xi32, #tpu.memory_space<vmem>> -> memref<128xi32, #tpu.memory_space<vmem>>
    %dma_wait3A_66 = arith.constant 0 : i32
    %dma_wait3A_67 = arith.constant 0 : i32
    %dma_wait3A_68 = tpu.memref_slice %arg2[%dma_wait3A_66, %dma_wait3A_67] : memref<507904x128xf32, #tpu.memory_space<hbm>> -> memref<507904x128xf32, #tpu.memory_space<hbm>>
    tpu.wait_indirect_dma semaphore(%arg7 : memref<!tpu.dma_semaphore, #tpu.memory_space<semaphore_mem>>) src(%dma_wait3A_68 : memref<507904x128xf32, #tpu.memory_space<hbm>>) dst(%dma_wait3A_62 : memref<128x128xf32, #tpu.memory_space<vmem>>)
    %dma_wait3A_69 = arith.constant 3 : i32
    %dma_wait3A_70 = arith.constant 384 : i32
    %dma_wait3A_71 = arith.constant 0 : i32
    %dma_wait3A_72 = tpu.memref_slice %arg6[%dma_wait3A_70, %dma_wait3A_71] : memref<640x128xf32, #tpu.memory_space<vmem>> -> memref<128x128xf32, #tpu.memory_space<vmem>>
    %dma_wait3A_73 = arith.constant 0 : i32
    %dma_wait3A_74 = tpu.memref_slice %arg5[%dma_wait3A_69, %dma_wait3A_73] : memref<4x128xi32, #tpu.memory_space<vmem>> -> memref<1x128xi32, #tpu.memory_space<vmem>>
    %dma_wait3A_75 = tpu.memref_squeeze %dma_wait3A_74 : memref<1x128xi32, #tpu.memory_space<vmem>> -> memref<128xi32, #tpu.memory_space<vmem>>
    %dma_wait3A_76 = arith.constant 0 : i32
    %dma_wait3A_77 = arith.constant 0 : i32
    %dma_wait3A_78 = tpu.memref_slice %arg2[%dma_wait3A_76, %dma_wait3A_77] : memref<507904x128xf32, #tpu.memory_space<hbm>> -> memref<507904x128xf32, #tpu.memory_space<hbm>>
    tpu.wait_indirect_dma semaphore(%arg7 : memref<!tpu.dma_semaphore, #tpu.memory_space<semaphore_mem>>) src(%dma_wait3A_78 : memref<507904x128xf32, #tpu.memory_space<hbm>>) dst(%dma_wait3A_72 : memref<128x128xf32, #tpu.memory_space<vmem>>)
    %mul3A_79 = arith.constant 4 : i32
    %mul3A_80 = arith.muli %add3A, %mul3A_79 : i32
    %mul3A_81 = arith.constant 128 : i32
    %mul3A_82 = arith.muli %mul3A_80, %mul3A_81 : i32
    %add3A_83 = arith.constant 0 : i32
    %add3A_84 = arith.addi %mul3A_82, %add3A_83 : i32
    "tpu.region"() ({
      %run_scoped3A = tpu.sem_alloc : memref<!tpu.dma_semaphore, #tpu.memory_space<semaphore_mem>>
      %dma_start3A_85 = arith.constant 0 : i32
      %dma_start3A_86 = arith.constant 0 : i32
      %dma_start3A_87 = tpu.memref_slice %arg6[%dma_start3A_85, %dma_start3A_86] : memref<640x128xf32, #tpu.memory_space<vmem>> -> memref<512x128xf32, #tpu.memory_space<vmem>>
      %dma_start3A_88 = arith.constant 0 : i32
      %dma_start3A_89 = tpu.memref_slice %arg4[%add3A_84, %dma_start3A_88] : memref<16384x128xf32, #tpu.memory_space<hbm>> -> memref<512x128xf32, #tpu.memory_space<hbm>>
      %dma_start3A_90 = arith.constant 0 : i32
      %dma_start3A_91 = tpu.memref_slice %arg4[%add3A_84, %dma_start3A_90] : memref<16384x128xf32, #tpu.memory_space<hbm>> -> memref<512x128xf32, #tpu.memory_space<hbm>>
      %dma_start3A_92 = arith.constant 0 : i32
      %dma_start3A_93 = arith.constant 0 : i32
      %dma_start3A_94 = tpu.memref_slice %arg6[%dma_start3A_92, %dma_start3A_93] : memref<640x128xf32, #tpu.memory_space<vmem>> -> memref<512x128xf32, #tpu.memory_space<vmem>>
      tpu.enqueue_dma source(%dma_start3A_94 : memref<512x128xf32, #tpu.memory_space<vmem>>) target(%dma_start3A_91 : memref<512x128xf32, #tpu.memory_space<hbm>>) target_semaphore(%run_scoped3A : memref<!tpu.dma_semaphore, #tpu.memory_space<semaphore_mem>>)
      %dma_wait3A_95 = arith.constant 0 : i32
      %dma_wait3A_96 = arith.constant 0 : i32
      %dma_wait3A_97 = tpu.memref_slice %arg6[%dma_wait3A_95, %dma_wait3A_96] : memref<640x128xf32, #tpu.memory_space<vmem>> -> memref<512x128xf32, #tpu.memory_space<vmem>>
      %dma_wait3A_98 = arith.constant 0 : i32
      %dma_wait3A_99 = tpu.memref_slice %arg4[%add3A_84, %dma_wait3A_98] : memref<16384x128xf32, #tpu.memory_space<hbm>> -> memref<512x128xf32, #tpu.memory_space<hbm>>
      %dma_wait3A_100 = arith.constant 0 : i32
      %dma_wait3A_101 = tpu.memref_slice %arg4[%add3A_84, %dma_wait3A_100] : memref<16384x128xf32, #tpu.memory_space<hbm>> -> memref<512x128xf32, #tpu.memory_space<hbm>>
      %dma_wait3A_102 = arith.constant 0 : i32
      %dma_wait3A_103 = arith.constant 0 : i32
      %dma_wait3A_104 = tpu.memref_slice %arg6[%dma_wait3A_102, %dma_wait3A_103] : memref<640x128xf32, #tpu.memory_space<vmem>> -> memref<512x128xf32, #tpu.memory_space<vmem>>
      tpu.wait_dma2 semaphore(%run_scoped3A : memref<!tpu.dma_semaphore, #tpu.memory_space<semaphore_mem>>) src(%dma_wait3A_104 : memref<512x128xf32, #tpu.memory_space<vmem>>) dst(%dma_wait3A_101 : memref<512x128xf32, #tpu.memory_space<hbm>>)
      tpu.yield
    }) : () -> ()
    return
  }
}

module attributes {stable_mosaic.version = 14 : i64} {
  func.func @_repack_body(%arg0: i32, %arg1: memref<64x32768xf32, #tpu.memory_space<vmem>>, %arg2: memref<16384x128xf32, #tpu.memory_space<vmem>>) attributes {dimension_semantics = [#tpu.dimension_semantics<parallel>], iteration_bounds = array<i64: 31>, scalar_prefetch = 0 : i64, scratch_operands = 0 : i64, tpu.core_type = #tpu.core_type<tc>, window_params = [{transform_indices = @transform_0, window_bounds = array<i64: 64, 32768>}, {transform_indices = @transform_1, window_bounds = array<i64: 16384, 128>}]} {
    %get3A = arith.constant 0 : index
    %get3A_0 = arith.constant 0 : index
    %get3A_1 = vector.load %arg1[%get3A, %get3A_0] : memref<64x32768xf32, #tpu.memory_space<vmem>>, vector<64x32768xf32>
    %slice3A = vector.extract_strided_slice %get3A_1 {offsets = [0, 0], sizes = [64, 16384], strides = [1, 1]} : vector<64x32768xf32> to vector<64x16384xf32>
    %slice3A_2 = vector.extract_strided_slice %get3A_1 {offsets = [0, 16384], sizes = [64, 16384], strides = [1, 1]} : vector<64x32768xf32> to vector<64x16384xf32>
    %concatenate3A = tpu.concatenate %slice3A, %slice3A_2 in 0 : vector<64x16384xf32>, vector<64x16384xf32> -> vector<128x16384xf32>
    %transpose3A = tpu.transpose %concatenate3A, [1, 0] : vector<128x16384xf32> -> vector<16384x128xf32>
    %swap3A = arith.constant 0 : index
    %swap3A_3 = arith.constant 0 : index
    %swap3A_4 = vector.load %arg2[%swap3A, %swap3A_3] : memref<16384x128xf32, #tpu.memory_space<vmem>>, vector<16384x128xf32>
    tpu.vector_store %arg2[%swap3A, %swap3A_3], %transpose3A {strides = array<i32>} : memref<16384x128xf32, #tpu.memory_space<vmem>>, vector<16384x128xf32>,
    return
  }
  func.func @transform_0(%arg0: i32) -> (i32, i32) {
    %c0_i32 = arith.constant 0 : i32
    %c0_i32_0 = arith.constant 0 : i32
    return %c0_i32, %arg0 : i32, i32
  }
  func.func @transform_1(%arg0: i32) -> (i32, i32) {
    %c0_i32 = arith.constant 0 : i32
    %c0_i32_0 = arith.constant 0 : i32
    return %arg0, %c0_i32 : i32, i32
  }
}

module attributes {stable_mosaic.version = 14 : i64} {
  func.func @_tc_loss_body(%arg0: i32, %arg1: memref<1024x128xf32, #tpu.memory_space<vmem>>, %arg2: memref<1024x128xf32, #tpu.memory_space<vmem>>, %arg3: memref<5120x128xf32, #tpu.memory_space<vmem>>, %arg4: memref<1024x1xf32, #tpu.memory_space<vmem>>, %arg5: memref<1024x1xf32, #tpu.memory_space<vmem>>, %arg6: memref<5120x1xf32, #tpu.memory_space<vmem>>, %arg7: memref<64x64xf32, #tpu.memory_space<vmem>>, %arg8: memref<1x64xf32, #tpu.memory_space<vmem>>, %arg9: memref<64x64xf32, #tpu.memory_space<vmem>>, %arg10: memref<1x64xf32, #tpu.memory_space<vmem>>, %arg11: memref<1x1xf32, #tpu.memory_space<smem>>) attributes {dimension_semantics = [#tpu.dimension_semantics<arbitrary>], iteration_bounds = array<i64: 16>, scalar_prefetch = 0 : i64, scratch_operands = 0 : i64, tpu.core_type = #tpu.core_type<tc>, window_params = [{transform_indices = @transform_0, window_bounds = array<i64: 1024, 128>}, {transform_indices = @transform_1, window_bounds = array<i64: 1024, 128>}, {transform_indices = @transform_2, window_bounds = array<i64: 5120, 128>}, {transform_indices = @transform_3, window_bounds = array<i64: 1024, 1>}, {transform_indices = @transform_4, window_bounds = array<i64: 1024, 1>}, {transform_indices = @transform_5, window_bounds = array<i64: 5120, 1>}, {pipeline_mode = #tpu.pipeline_mode<synchronous>, transform_indices = @transform_6, window_bounds = array<i64: 64, 64>}, {pipeline_mode = #tpu.pipeline_mode<synchronous>, transform_indices = @transform_7, window_bounds = array<i64: 1, 64>}, {pipeline_mode = #tpu.pipeline_mode<synchronous>, transform_indices = @transform_8, window_bounds = array<i64: 64, 64>}, {pipeline_mode = #tpu.pipeline_mode<synchronous>, transform_indices = @transform_9, window_bounds = array<i64: 1, 64>}, {transform_indices = @transform_10, window_bounds = array<i64: 1, 1>}]} {
    %get3A = arith.constant 0 : index
    %get3A_0 = arith.constant 0 : index
    %get3A_1 = vector.load %arg1[%get3A, %get3A_0] : memref<1024x128xf32, #tpu.memory_space<vmem>>, vector<1024x128xf32>
    %get3A_2 = arith.constant 0 : index
    %get3A_3 = arith.constant 0 : index
    %get3A_4 = vector.load %arg4[%get3A_2, %get3A_3] : memref<1024x1xf32, #tpu.memory_space<vmem>>, vector<1024x1xf32>
    %gt3A = arith.constant 5.000000e-01 : f32
    %gt3A_5 = vector.broadcast %gt3A : f32 to vector<1024x1xf32>
    %gt3A_6 = arith.cmpf ogt, %get3A_4, %gt3A_5 : vector<1024x1xf32>
    %slice3A = vector.extract_strided_slice %get3A_1 {offsets = [0, 64], sizes = [1024, 64], strides = [1, 1]} : vector<1024x128xf32> to vector<1024x64xf32>
    %slice3A_7 = vector.extract_strided_slice %get3A_1 {offsets = [0, 0], sizes = [1024, 64], strides = [1, 1]} : vector<1024x128xf32> to vector<1024x64xf32>
    %broadcast_in_dim3A = vector.shape_cast %gt3A_6 : vector<1024x1xi1> to vector<1024x1xi1>
    %broadcast_in_dim3A_8 = vector.broadcast %broadcast_in_dim3A : vector<1024x1xi1> to vector<1024x64xi1>
    %select_n3A = arith.select %broadcast_in_dim3A_8, %slice3A, %slice3A_7 : vector<1024x64xi1>, vector<1024x64xf32>
    %get3A_9 = arith.constant 0 : index
    %get3A_10 = arith.constant 0 : index
    %get3A_11 = vector.load %arg7[%get3A_9, %get3A_10] : memref<64x64xf32, #tpu.memory_space<vmem>>, vector<64x64xf32>
    %dot_general3A = arith.constant dense<0.000000e+00> : vector<1024x64xf32>
    %dot_general3A_12 = tpu.matmul %select_n3A, %get3A_11, %dot_general3A {dimension_numbers = #tpu.dot_dimension_numbers<[1], [1], [0], [0], [0, 0, 1, 0], [], []>, transpose_lhs_hint = false} : vector<1024x64xf32>, vector<64x64xf32>, vector<1024x64xf32> -> vector<1024x64xf32>
    %get3A_13 = arith.constant 0 : index
    %get3A_14 = arith.constant 0 : index
    %get3A_15 = vector.load %arg8[%get3A_13, %get3A_14] : memref<1x64xf32, #tpu.memory_space<vmem>>, vector<1x64xf32>
    %add3A = vector.broadcast %get3A_15 : vector<1x64xf32> to vector<1024x64xf32>
    %add3A_16 = arith.addf %dot_general3A_12, %add3A : vector<1024x64xf32>
    %gt3A_17 = arith.constant 0.000000e+00 : f32
    %gt3A_18 = vector.broadcast %gt3A_17 : f32 to vector<1024x64xf32>
    %gt3A_19 = arith.cmpf ogt, %add3A_16, %gt3A_18 : vector<1024x64xf32>
    %exp3A = math.exp %add3A_16 : vector<1024x64xf32>
    %sub3A = arith.constant 1.000000e+00 : f32
    %sub3A_20 = vector.broadcast %sub3A : f32 to vector<1024x64xf32>
    %sub3A_21 = arith.subf %exp3A, %sub3A_20 : vector<1024x64xf32>
    %mul3A = arith.constant 1.67326319 : f32
    %mul3A_22 = vector.broadcast %mul3A : f32 to vector<1024x64xf32>
    %mul3A_23 = arith.mulf %mul3A_22, %sub3A_21 : vector<1024x64xf32>
    %select_n3A_24 = arith.select %gt3A_19, %add3A_16, %mul3A_23 : vector<1024x64xi1>, vector<1024x64xf32>
    %mul3A_25 = arith.constant 1.05070102 : f32
    %mul3A_26 = vector.broadcast %mul3A_25 : f32 to vector<1024x64xf32>
    %mul3A_27 = arith.mulf %mul3A_26, %select_n3A_24 : vector<1024x64xf32>
    %get3A_28 = arith.constant 0 : index
    %get3A_29 = arith.constant 0 : index
    %get3A_30 = vector.load %arg2[%get3A_28, %get3A_29] : memref<1024x128xf32, #tpu.memory_space<vmem>>, vector<1024x128xf32>
    %get3A_31 = arith.constant 0 : index
    %get3A_32 = arith.constant 0 : index
    %get3A_33 = vector.load %arg5[%get3A_31, %get3A_32] : memref<1024x1xf32, #tpu.memory_space<vmem>>, vector<1024x1xf32>
    %gt3A_34 = arith.constant 5.000000e-01 : f32
    %gt3A_35 = vector.broadcast %gt3A_34 : f32 to vector<1024x1xf32>
    %gt3A_36 = arith.cmpf ogt, %get3A_33, %gt3A_35 : vector<1024x1xf32>
    %slice3A_37 = vector.extract_strided_slice %get3A_30 {offsets = [0, 64], sizes = [1024, 64], strides = [1, 1]} : vector<1024x128xf32> to vector<1024x64xf32>
    %slice3A_38 = vector.extract_strided_slice %get3A_30 {offsets = [0, 0], sizes = [1024, 64], strides = [1, 1]} : vector<1024x128xf32> to vector<1024x64xf32>
    %broadcast_in_dim3A_39 = vector.shape_cast %gt3A_36 : vector<1024x1xi1> to vector<1024x1xi1>
    %broadcast_in_dim3A_40 = vector.broadcast %broadcast_in_dim3A_39 : vector<1024x1xi1> to vector<1024x64xi1>
    %select_n3A_41 = arith.select %broadcast_in_dim3A_40, %slice3A_37, %slice3A_38 : vector<1024x64xi1>, vector<1024x64xf32>
    %get3A_42 = arith.constant 0 : index
    %get3A_43 = arith.constant 0 : index
    %get3A_44 = vector.load %arg9[%get3A_42, %get3A_43] : memref<64x64xf32, #tpu.memory_space<vmem>>, vector<64x64xf32>
    %dot_general3A_45 = arith.constant dense<0.000000e+00> : vector<1024x64xf32>
    %dot_general3A_46 = tpu.matmul %select_n3A_41, %get3A_44, %dot_general3A_45 {dimension_numbers = #tpu.dot_dimension_numbers<[1], [1], [0], [0], [0, 0, 1, 0], [], []>, transpose_lhs_hint = false} : vector<1024x64xf32>, vector<64x64xf32>, vector<1024x64xf32> -> vector<1024x64xf32>
    %get3A_47 = arith.constant 0 : index
    %get3A_48 = arith.constant 0 : index
    %get3A_49 = vector.load %arg10[%get3A_47, %get3A_48] : memref<1x64xf32, #tpu.memory_space<vmem>>, vector<1x64xf32>
    %add3A_50 = vector.broadcast %get3A_49 : vector<1x64xf32> to vector<1024x64xf32>
    %add3A_51 = arith.addf %dot_general3A_46, %add3A_50 : vector<1024x64xf32>
    %gt3A_52 = arith.constant 0.000000e+00 : f32
    %gt3A_53 = vector.broadcast %gt3A_52 : f32 to vector<1024x64xf32>
    %gt3A_54 = arith.cmpf ogt, %add3A_51, %gt3A_53 : vector<1024x64xf32>
    %exp3A_55 = math.exp %add3A_51 : vector<1024x64xf32>
    %sub3A_56 = arith.constant 1.000000e+00 : f32
    %sub3A_57 = vector.broadcast %sub3A_56 : f32 to vector<1024x64xf32>
    %sub3A_58 = arith.subf %exp3A_55, %sub3A_57 : vector<1024x64xf32>
    %mul3A_59 = arith.constant 1.67326319 : f32
    %mul3A_60 = vector.broadcast %mul3A_59 : f32 to vector<1024x64xf32>
    %mul3A_61 = arith.mulf %mul3A_60, %sub3A_58 : vector<1024x64xf32>
    %select_n3A_62 = arith.select %gt3A_54, %add3A_51, %mul3A_61 : vector<1024x64xi1>, vector<1024x64xf32>
    %mul3A_63 = arith.constant 1.05070102 : f32
    %mul3A_64 = vector.broadcast %mul3A_63 : f32 to vector<1024x64xf32>
    %mul3A_65 = arith.mulf %mul3A_64, %select_n3A_62 : vector<1024x64xf32>
    %get3A_66 = arith.constant 0 : index
    %get3A_67 = arith.constant 0 : index
    %get3A_68 = vector.load %arg3[%get3A_66, %get3A_67] : memref<5120x128xf32, #tpu.memory_space<vmem>>, vector<5120x128xf32>
    %get3A_69 = arith.constant 0 : index
    %get3A_70 = arith.constant 0 : index
    %get3A_71 = vector.load %arg6[%get3A_69, %get3A_70] : memref<5120x1xf32, #tpu.memory_space<vmem>>, vector<5120x1xf32>
    %gt3A_72 = arith.constant 5.000000e-01 : f32
    %gt3A_73 = vector.broadcast %gt3A_72 : f32 to vector<5120x1xf32>
    %gt3A_74 = arith.cmpf ogt, %get3A_71, %gt3A_73 : vector<5120x1xf32>
    %slice3A_75 = vector.extract_strided_slice %get3A_68 {offsets = [0, 64], sizes = [5120, 64], strides = [1, 1]} : vector<5120x128xf32> to vector<5120x64xf32>
    %slice3A_76 = vector.extract_strided_slice %get3A_68 {offsets = [0, 0], sizes = [5120, 64], strides = [1, 1]} : vector<5120x128xf32> to vector<5120x64xf32>
    %broadcast_in_dim3A_77 = vector.shape_cast %gt3A_74 : vector<5120x1xi1> to vector<5120x1xi1>
    %broadcast_in_dim3A_78 = vector.broadcast %broadcast_in_dim3A_77 : vector<5120x1xi1> to vector<5120x64xi1>
    %select_n3A_79 = arith.select %broadcast_in_dim3A_78, %slice3A_75, %slice3A_76 : vector<5120x64xi1>, vector<5120x64xf32>
    %get3A_80 = arith.constant 0 : index
    %get3A_81 = arith.constant 0 : index
    %get3A_82 = vector.load %arg9[%get3A_80, %get3A_81] : memref<64x64xf32, #tpu.memory_space<vmem>>, vector<64x64xf32>
    %dot_general3A_83 = arith.constant dense<0.000000e+00> : vector<5120x64xf32>
    %dot_general3A_84 = tpu.matmul %select_n3A_79, %get3A_82, %dot_general3A_83 {dimension_numbers = #tpu.dot_dimension_numbers<[1], [1], [0], [0], [0, 0, 1, 0], [], []>, transpose_lhs_hint = false} : vector<5120x64xf32>, vector<64x64xf32>, vector<5120x64xf32> -> vector<5120x64xf32>
    %get3A_85 = arith.constant 0 : index
    %get3A_86 = arith.constant 0 : index
    %get3A_87 = vector.load %arg10[%get3A_85, %get3A_86] : memref<1x64xf32, #tpu.memory_space<vmem>>, vector<1x64xf32>
    %add3A_88 = vector.broadcast %get3A_87 : vector<1x64xf32> to vector<5120x64xf32>
    %add3A_89 = arith.addf %dot_general3A_84, %add3A_88 : vector<5120x64xf32>
    %gt3A_90 = arith.constant 0.000000e+00 : f32
    %gt3A_91 = vector.broadcast %gt3A_90 : f32 to vector<5120x64xf32>
    %gt3A_92 = arith.cmpf ogt, %add3A_89, %gt3A_91 : vector<5120x64xf32>
    %exp3A_93 = math.exp %add3A_89 : vector<5120x64xf32>
    %sub3A_94 = arith.constant 1.000000e+00 : f32
    %sub3A_95 = vector.broadcast %sub3A_94 : f32 to vector<5120x64xf32>
    %sub3A_96 = arith.subf %exp3A_93, %sub3A_95 : vector<5120x64xf32>
    %mul3A_97 = arith.constant 1.67326319 : f32
    %mul3A_98 = vector.broadcast %mul3A_97 : f32 to vector<5120x64xf32>
    %mul3A_99 = arith.mulf %mul3A_98, %sub3A_96 : vector<5120x64xf32>
    %select_n3A_100 = arith.select %gt3A_92, %add3A_89, %mul3A_99 : vector<5120x64xi1>, vector<5120x64xf32>
    %mul3A_101 = arith.constant 1.05070102 : f32
    %mul3A_102 = vector.broadcast %mul3A_101 : f32 to vector<5120x64xf32>
    %mul3A_103 = arith.mulf %mul3A_102, %select_n3A_100 : vector<5120x64xf32>
    %mul3A_104 = arith.mulf %mul3A_27, %mul3A_65 : vector<1024x64xf32>
    %reduce_sum3A = arith.constant dense<0.000000e+00> : vector<1024xf32>
    %reduce_sum3A_105 = vector.multi_reduction <add>, %mul3A_104, %reduce_sum3A [1] : vector<1024x64xf32> to vector<1024xf32>
    %broadcast_in_dim3A_106 = vector.shape_cast %reduce_sum3A_105 : vector<1024xf32> to vector<1024x1xf32>
    %jit3A = arith.constant -1.000000e+01 : f32
    %jit3A_107 = arith.constant 1.000000e+01 : f32
    %max3A = vector.broadcast %jit3A : f32 to vector<1024x1xf32>
    %max3A_108 = arith.maximumf %max3A, %broadcast_in_dim3A_106 : vector<1024x1xf32>
    %min3A = vector.broadcast %jit3A_107 : f32 to vector<1024x1xf32>
    %min3A_109 = arith.minimumf %min3A, %max3A_108 : vector<1024x1xf32>
    %neg3A = arith.constant 0.000000e+00 : f32
    %neg3A_110 = vector.broadcast %neg3A : f32 to vector<1024x1xf32>
    %neg3A_111 = arith.subf %neg3A_110, %min3A_109 : vector<1024x1xf32>
    %max3A_112 = arith.constant 0.000000e+00 : f32
    %max3A_113 = vector.broadcast %max3A_112 : f32 to vector<1024x1xf32>
    %max3A_114 = arith.maximumf %neg3A_111, %max3A_113 : vector<1024x1xf32>
    %abs3A = math.absf %neg3A_111 : vector<1024x1xf32>
    %neg3A_115 = arith.constant 0.000000e+00 : f32
    %neg3A_116 = vector.broadcast %neg3A_115 : f32 to vector<1024x1xf32>
    %neg3A_117 = arith.subf %neg3A_116, %abs3A : vector<1024x1xf32>
    %exp3A_118 = math.exp %neg3A_117 : vector<1024x1xf32>
    %add3A_119 = arith.constant 1.000000e+00 : f32
    %add3A_120 = vector.broadcast %add3A_119 : f32 to vector<1024x1xf32>
    %add3A_121 = arith.addf %add3A_120, %exp3A_118 : vector<1024x1xf32>
    %log3A = math.log %add3A_121 : vector<1024x1xf32>
    %add3A_122 = arith.addf %max3A_114, %log3A : vector<1024x1xf32>
    %reduce_sum3A_123 = vector.shape_cast %add3A_122 : vector<1024x1xf32> to vector<1x1024x1xf32>
    %reduce_sum3A_124 = arith.constant dense<0.000000e+00> : vector<1xf32>
    %reduce_sum3A_125 = vector.multi_reduction <add>, %reduce_sum3A_123, %reduce_sum3A_124 [1, 2] : vector<1x1024x1xf32> to vector<1xf32>
    %reduce_sum3A_126 = vector.shape_cast %reduce_sum3A_125 : vector<1xf32> to vector<1x1x1xf32>
    %reduce_sum3A_127 = vector.extract %reduce_sum3A_126[0, 0, 0] : f32 from vector<1x1x1xf32>
    %slice3A_128 = vector.extract_strided_slice %mul3A_103 {offsets = [0, 0], sizes = [1024, 64], strides = [1, 1]} : vector<5120x64xf32> to vector<1024x64xf32>
    %mul3A_129 = arith.mulf %slice3A_128, %mul3A_27 : vector<1024x64xf32>
    %reduce_sum3A_130 = arith.constant dense<0.000000e+00> : vector<1024xf32>
    %reduce_sum3A_131 = vector.multi_reduction <add>, %mul3A_129, %reduce_sum3A_130 [1] : vector<1024x64xf32> to vector<1024xf32>
    %broadcast_in_dim3A_132 = vector.shape_cast %reduce_sum3A_131 : vector<1024xf32> to vector<1024x1xf32>
    %jit3A_133 = arith.constant -1.000000e+01 : f32
    %jit3A_134 = arith.constant 1.000000e+01 : f32
    %max3A_135 = vector.broadcast %jit3A_133 : f32 to vector<1024x1xf32>
    %max3A_136 = arith.maximumf %max3A_135, %broadcast_in_dim3A_132 : vector<1024x1xf32>
    %min3A_137 = vector.broadcast %jit3A_134 : f32 to vector<1024x1xf32>
    %min3A_138 = arith.minimumf %min3A_137, %max3A_136 : vector<1024x1xf32>
    %max3A_139 = arith.constant 0.000000e+00 : f32
    %max3A_140 = vector.broadcast %max3A_139 : f32 to vector<1024x1xf32>
    %max3A_141 = arith.maximumf %min3A_138, %max3A_140 : vector<1024x1xf32>
    %abs3A_142 = math.absf %min3A_138 : vector<1024x1xf32>
    %neg3A_143 = arith.constant 0.000000e+00 : f32
    %neg3A_144 = vector.broadcast %neg3A_143 : f32 to vector<1024x1xf32>
    %neg3A_145 = arith.subf %neg3A_144, %abs3A_142 : vector<1024x1xf32>
    %exp3A_146 = math.exp %neg3A_145 : vector<1024x1xf32>
    %add3A_147 = arith.constant 1.000000e+00 : f32
    %add3A_148 = vector.broadcast %add3A_147 : f32 to vector<1024x1xf32>
    %add3A_149 = arith.addf %add3A_148, %exp3A_146 : vector<1024x1xf32>
    %log3A_150 = math.log %add3A_149 : vector<1024x1xf32>
    %add3A_151 = arith.addf %max3A_141, %log3A_150 : vector<1024x1xf32>
    %reduce_sum3A_152 = vector.shape_cast %add3A_151 : vector<1024x1xf32> to vector<1x1024x1xf32>
    %reduce_sum3A_153 = arith.constant dense<0.000000e+00> : vector<1xf32>
    %reduce_sum3A_154 = vector.multi_reduction <add>, %reduce_sum3A_152, %reduce_sum3A_153 [1, 2] : vector<1x1024x1xf32> to vector<1xf32>
    %reduce_sum3A_155 = vector.shape_cast %reduce_sum3A_154 : vector<1xf32> to vector<1x1x1xf32>
    %reduce_sum3A_156 = vector.extract %reduce_sum3A_155[0, 0, 0] : f32 from vector<1x1x1xf32>
    %add3A_157 = arith.addf %reduce_sum3A_127, %reduce_sum3A_156 : f32
    %slice3A_158 = vector.extract_strided_slice %mul3A_103 {offsets = [1024, 0], sizes = [1024, 64], strides = [1, 1]} : vector<5120x64xf32> to vector<1024x64xf32>
    %mul3A_159 = arith.mulf %slice3A_158, %mul3A_27 : vector<1024x64xf32>
    %reduce_sum3A_160 = arith.constant dense<0.000000e+00> : vector<1024xf32>
    %reduce_sum3A_161 = vector.multi_reduction <add>, %mul3A_159, %reduce_sum3A_160 [1] : vector<1024x64xf32> to vector<1024xf32>
    %broadcast_in_dim3A_162 = vector.shape_cast %reduce_sum3A_161 : vector<1024xf32> to vector<1024x1xf32>
    %jit3A_163 = arith.constant -1.000000e+01 : f32
    %jit3A_164 = arith.constant 1.000000e+01 : f32
    %max3A_165 = vector.broadcast %jit3A_163 : f32 to vector<1024x1xf32>
    %max3A_166 = arith.maximumf %max3A_165, %broadcast_in_dim3A_162 : vector<1024x1xf32>
    %min3A_167 = vector.broadcast %jit3A_164 : f32 to vector<1024x1xf32>
    %min3A_168 = arith.minimumf %min3A_167, %max3A_166 : vector<1024x1xf32>
    %max3A_169 = arith.constant 0.000000e+00 : f32
    %max3A_170 = vector.broadcast %max3A_169 : f32 to vector<1024x1xf32>
    %max3A_171 = arith.maximumf %min3A_168, %max3A_170 : vector<1024x1xf32>
    %abs3A_172 = math.absf %min3A_168 : vector<1024x1xf32>
    %neg3A_173 = arith.constant 0.000000e+00 : f32
    %neg3A_174 = vector.broadcast %neg3A_173 : f32 to vector<1024x1xf32>
    %neg3A_175 = arith.subf %neg3A_174, %abs3A_172 : vector<1024x1xf32>
    %exp3A_176 = math.exp %neg3A_175 : vector<1024x1xf32>
    %add3A_177 = arith.constant 1.000000e+00 : f32
    %add3A_178 = vector.broadcast %add3A_177 : f32 to vector<1024x1xf32>
    %add3A_179 = arith.addf %add3A_178, %exp3A_176 : vector<1024x1xf32>
    %log3A_180 = math.log %add3A_179 : vector<1024x1xf32>
    %add3A_181 = arith.addf %max3A_171, %log3A_180 : vector<1024x1xf32>
    %reduce_sum3A_182 = vector.shape_cast %add3A_181 : vector<1024x1xf32> to vector<1x1024x1xf32>
    %reduce_sum3A_183 = arith.constant dense<0.000000e+00> : vector<1xf32>
    %reduce_sum3A_184 = vector.multi_reduction <add>, %reduce_sum3A_182, %reduce_sum3A_183 [1, 2] : vector<1x1024x1xf32> to vector<1xf32>
    %reduce_sum3A_185 = vector.shape_cast %reduce_sum3A_184 : vector<1xf32> to vector<1x1x1xf32>
    %reduce_sum3A_186 = vector.extract %reduce_sum3A_185[0, 0, 0] : f32 from vector<1x1x1xf32>
    %add3A_187 = arith.addf %add3A_157, %reduce_sum3A_186 : f32
    %slice3A_188 = vector.extract_strided_slice %mul3A_103 {offsets = [2048, 0], sizes = [1024, 64], strides = [1, 1]} : vector<5120x64xf32> to vector<1024x64xf32>
    %mul3A_189 = arith.mulf %slice3A_188, %mul3A_27 : vector<1024x64xf32>
    %reduce_sum3A_190 = arith.constant dense<0.000000e+00> : vector<1024xf32>
    %reduce_sum3A_191 = vector.multi_reduction <add>, %mul3A_189, %reduce_sum3A_190 [1] : vector<1024x64xf32> to vector<1024xf32>
    %broadcast_in_dim3A_192 = vector.shape_cast %reduce_sum3A_191 : vector<1024xf32> to vector<1024x1xf32>
    %jit3A_193 = arith.constant -1.000000e+01 : f32
    %jit3A_194 = arith.constant 1.000000e+01 : f32
    %max3A_195 = vector.broadcast %jit3A_193 : f32 to vector<1024x1xf32>
    %max3A_196 = arith.maximumf %max3A_195, %broadcast_in_dim3A_192 : vector<1024x1xf32>
    %min3A_197 = vector.broadcast %jit3A_194 : f32 to vector<1024x1xf32>
    %min3A_198 = arith.minimumf %min3A_197, %max3A_196 : vector<1024x1xf32>
    %max3A_199 = arith.constant 0.000000e+00 : f32
    %max3A_200 = vector.broadcast %max3A_199 : f32 to vector<1024x1xf32>
    %max3A_201 = arith.maximumf %min3A_198, %max3A_200 : vector<1024x1xf32>
    %abs3A_202 = math.absf %min3A_198 : vector<1024x1xf32>
    %neg3A_203 = arith.constant 0.000000e+00 : f32
    %neg3A_204 = vector.broadcast %neg3A_203 : f32 to vector<1024x1xf32>
    %neg3A_205 = arith.subf %neg3A_204, %abs3A_202 : vector<1024x1xf32>
    %exp3A_206 = math.exp %neg3A_205 : vector<1024x1xf32>
    %add3A_207 = arith.constant 1.000000e+00 : f32
    %add3A_208 = vector.broadcast %add3A_207 : f32 to vector<1024x1xf32>
    %add3A_209 = arith.addf %add3A_208, %exp3A_206 : vector<1024x1xf32>
    %log3A_210 = math.log %add3A_209 : vector<1024x1xf32>
    %add3A_211 = arith.addf %max3A_201, %log3A_210 : vector<1024x1xf32>
    %reduce_sum3A_212 = vector.shape_cast %add3A_211 : vector<1024x1xf32> to vector<1x1024x1xf32>
    %reduce_sum3A_213 = arith.constant dense<0.000000e+00> : vector<1xf32>
    %reduce_sum3A_214 = vector.multi_reduction <add>, %reduce_sum3A_212, %reduce_sum3A_213 [1, 2] : vector<1x1024x1xf32> to vector<1xf32>
    %reduce_sum3A_215 = vector.shape_cast %reduce_sum3A_214 : vector<1xf32> to vector<1x1x1xf32>
    %reduce_sum3A_216 = vector.extract %reduce_sum3A_215[0, 0, 0] : f32 from vector<1x1x1xf32>
    %add3A_217 = arith.addf %add3A_187, %reduce_sum3A_216 : f32
    %slice3A_218 = vector.extract_strided_slice %mul3A_103 {offsets = [3072, 0], sizes = [1024, 64], strides = [1, 1]} : vector<5120x64xf32> to vector<1024x64xf32>
    %mul3A_219 = arith.mulf %slice3A_218, %mul3A_27 : vector<1024x64xf32>
    %reduce_sum3A_220 = arith.constant dense<0.000000e+00> : vector<1024xf32>
    %reduce_sum3A_221 = vector.multi_reduction <add>, %mul3A_219, %reduce_sum3A_220 [1] : vector<1024x64xf32> to vector<1024xf32>
    %broadcast_in_dim3A_222 = vector.shape_cast %reduce_sum3A_221 : vector<1024xf32> to vector<1024x1xf32>
    %jit3A_223 = arith.constant -1.000000e+01 : f32
    %jit3A_224 = arith.constant 1.000000e+01 : f32
    %max3A_225 = vector.broadcast %jit3A_223 : f32 to vector<1024x1xf32>
    %max3A_226 = arith.maximumf %max3A_225, %broadcast_in_dim3A_222 : vector<1024x1xf32>
    %min3A_227 = vector.broadcast %jit3A_224 : f32 to vector<1024x1xf32>
    %min3A_228 = arith.minimumf %min3A_227, %max3A_226 : vector<1024x1xf32>
    %max3A_229 = arith.constant 0.000000e+00 : f32
    %max3A_230 = vector.broadcast %max3A_229 : f32 to vector<1024x1xf32>
    %max3A_231 = arith.maximumf %min3A_228, %max3A_230 : vector<1024x1xf32>
    %abs3A_232 = math.absf %min3A_228 : vector<1024x1xf32>
    %neg3A_233 = arith.constant 0.000000e+00 : f32
    %neg3A_234 = vector.broadcast %neg3A_233 : f32 to vector<1024x1xf32>
    %neg3A_235 = arith.subf %neg3A_234, %abs3A_232 : vector<1024x1xf32>
    %exp3A_236 = math.exp %neg3A_235 : vector<1024x1xf32>
    %add3A_237 = arith.constant 1.000000e+00 : f32
    %add3A_238 = vector.broadcast %add3A_237 : f32 to vector<1024x1xf32>
    %add3A_239 = arith.addf %add3A_238, %exp3A_236 : vector<1024x1xf32>
    %log3A_240 = math.log %add3A_239 : vector<1024x1xf32>
    %add3A_241 = arith.addf %max3A_231, %log3A_240 : vector<1024x1xf32>
    %reduce_sum3A_242 = vector.shape_cast %add3A_241 : vector<1024x1xf32> to vector<1x1024x1xf32>
    %reduce_sum3A_243 = arith.constant dense<0.000000e+00> : vector<1xf32>
    %reduce_sum3A_244 = vector.multi_reduction <add>, %reduce_sum3A_242, %reduce_sum3A_243 [1, 2] : vector<1x1024x1xf32> to vector<1xf32>
    %reduce_sum3A_245 = vector.shape_cast %reduce_sum3A_244 : vector<1xf32> to vector<1x1x1xf32>
    %reduce_sum3A_246 = vector.extract %reduce_sum3A_245[0, 0, 0] : f32 from vector<1x1x1xf32>
    %add3A_247 = arith.addf %add3A_217, %reduce_sum3A_246 : f32
    %slice3A_248 = vector.extract_strided_slice %mul3A_103 {offsets = [4096, 0], sizes = [1024, 64], strides = [1, 1]} : vector<5120x64xf32> to vector<1024x64xf32>
    %mul3A_249 = arith.mulf %slice3A_248, %mul3A_27 : vector<1024x64xf32>
    %reduce_sum3A_250 = arith.constant dense<0.000000e+00> : vector<1024xf32>
    %reduce_sum3A_251 = vector.multi_reduction <add>, %mul3A_249, %reduce_sum3A_250 [1] : vector<1024x64xf32> to vector<1024xf32>
    %broadcast_in_dim3A_252 = vector.shape_cast %reduce_sum3A_251 : vector<1024xf32> to vector<1024x1xf32>
    %jit3A_253 = arith.constant -1.000000e+01 : f32
    %jit3A_254 = arith.constant 1.000000e+01 : f32
    %max3A_255 = vector.broadcast %jit3A_253 : f32 to vector<1024x1xf32>
    %max3A_256 = arith.maximumf %max3A_255, %broadcast_in_dim3A_252 : vector<1024x1xf32>
    %min3A_257 = vector.broadcast %jit3A_254 : f32 to vector<1024x1xf32>
    %min3A_258 = arith.minimumf %min3A_257, %max3A_256 : vector<1024x1xf32>
    %max3A_259 = arith.constant 0.000000e+00 : f32
    %max3A_260 = vector.broadcast %max3A_259 : f32 to vector<1024x1xf32>
    %max3A_261 = arith.maximumf %min3A_258, %max3A_260 : vector<1024x1xf32>
    %abs3A_262 = math.absf %min3A_258 : vector<1024x1xf32>
    %neg3A_263 = arith.constant 0.000000e+00 : f32
    %neg3A_264 = vector.broadcast %neg3A_263 : f32 to vector<1024x1xf32>
    %neg3A_265 = arith.subf %neg3A_264, %abs3A_262 : vector<1024x1xf32>
    %exp3A_266 = math.exp %neg3A_265 : vector<1024x1xf32>
    %add3A_267 = arith.constant 1.000000e+00 : f32
    %add3A_268 = vector.broadcast %add3A_267 : f32 to vector<1024x1xf32>
    %add3A_269 = arith.addf %add3A_268, %exp3A_266 : vector<1024x1xf32>
    %log3A_270 = math.log %add3A_269 : vector<1024x1xf32>
    %add3A_271 = arith.addf %max3A_261, %log3A_270 : vector<1024x1xf32>
    %reduce_sum3A_272 = vector.shape_cast %add3A_271 : vector<1024x1xf32> to vector<1x1024x1xf32>
    %reduce_sum3A_273 = arith.constant dense<0.000000e+00> : vector<1xf32>
    %reduce_sum3A_274 = vector.multi_reduction <add>, %reduce_sum3A_272, %reduce_sum3A_273 [1, 2] : vector<1x1024x1xf32> to vector<1xf32>
    %reduce_sum3A_275 = vector.shape_cast %reduce_sum3A_274 : vector<1xf32> to vector<1x1x1xf32>
    %reduce_sum3A_276 = vector.extract %reduce_sum3A_275[0, 0, 0] : f32 from vector<1x1x1xf32>
    %add3A_277 = arith.addf %add3A_247, %reduce_sum3A_276 : f32
    %eq3A = arith.constant 0 : i32
    %eq3A_278 = arith.cmpi eq, %arg0, %eq3A : i32
    %convert_element_type3A = arith.extui %eq3A_278 : i1 to i32
    %cond3A = arith.constant 0 : i32
    %cond3A_279 = arith.cmpi ne, %convert_element_type3A, %cond3A : i32
    scf.if %cond3A_279 {
      %swap3A_286 = arith.constant 0.000000e+00 : f32
      %swap3A_287 = arith.constant 0 : index
      %swap3A_288 = arith.constant 0 : index
      %swap3A_289 = memref.load %arg11[%swap3A_287, %swap3A_288] : memref<1x1xf32, #tpu.memory_space<smem>>
      memref.store %swap3A_286, %arg11[%swap3A_287, %swap3A_288] : memref<1x1xf32, #tpu.memory_space<smem>>
    } else {
    }
    %get3A_280 = arith.constant 0 : index
    %get3A_281 = arith.constant 0 : index
    %get3A_282 = memref.load %arg11[%get3A_280, %get3A_281] : memref<1x1xf32, #tpu.memory_space<smem>>
    %add3A_283 = arith.addf %get3A_282, %add3A_277 : f32
    %swap3A = arith.constant 0 : index
    %swap3A_284 = arith.constant 0 : index
    %swap3A_285 = memref.load %arg11[%swap3A, %swap3A_284] : memref<1x1xf32, #tpu.memory_space<smem>>
    memref.store %add3A_283, %arg11[%swap3A, %swap3A_284] : memref<1x1xf32, #tpu.memory_space<smem>>
    return
  }
  func.func @transform_0(%arg0: i32) -> (i32, i32) {
    %c0_i32 = arith.constant 0 : i32
    %c0_i32_0 = arith.constant 0 : i32
    return %arg0, %c0_i32 : i32, i32
  }
  func.func @transform_1(%arg0: i32) -> (i32, i32) {
    %c0_i32 = arith.constant 0 : i32
    %c0_i32_0 = arith.constant 0 : i32
    return %arg0, %c0_i32 : i32, i32
  }
  func.func @transform_2(%arg0: i32) -> (i32, i32) {
    %c0_i32 = arith.constant 0 : i32
    %c0_i32_0 = arith.constant 0 : i32
    return %arg0, %c0_i32 : i32, i32
  }
  func.func @transform_3(%arg0: i32) -> (i32, i32) {
    %c0_i32 = arith.constant 0 : i32
    %c0_i32_0 = arith.constant 0 : i32
    return %arg0, %c0_i32 : i32, i32
  }
  func.func @transform_4(%arg0: i32) -> (i32, i32) {
    %c0_i32 = arith.constant 0 : i32
    %c0_i32_0 = arith.constant 0 : i32
    return %arg0, %c0_i32 : i32, i32
  }
  func.func @transform_5(%arg0: i32) -> (i32, i32) {
    %c0_i32 = arith.constant 0 : i32
    %c0_i32_0 = arith.constant 0 : i32
    return %arg0, %c0_i32 : i32, i32
  }
  func.func @transform_6(%arg0: i32) -> (i32, i32) {
    %c0_i32 = arith.constant 0 : i32
    %c0_i32_0 = arith.constant 0 : i32
    %c0_i32_1 = arith.constant 0 : i32
    return %c0_i32, %c0_i32_0 : i32, i32
  }
  func.func @transform_7(%arg0: i32) -> (i32, i32) {
    %c0_i32 = arith.constant 0 : i32
    %c0_i32_0 = arith.constant 0 : i32
    %c0_i32_1 = arith.constant 0 : i32
    return %c0_i32, %c0_i32_0 : i32, i32
  }
  func.func @transform_8(%arg0: i32) -> (i32, i32) {
    %c0_i32 = arith.constant 0 : i32
    %c0_i32_0 = arith.constant 0 : i32
    %c0_i32_1 = arith.constant 0 : i32
    return %c0_i32, %c0_i32_0 : i32, i32
  }
  func.func @transform_9(%arg0: i32) -> (i32, i32) {
    %c0_i32 = arith.constant 0 : i32
    %c0_i32_0 = arith.constant 0 : i32
    %c0_i32_1 = arith.constant 0 : i32
    return %c0_i32, %c0_i32_0 : i32, i32
  }
  func.func @transform_10(%arg0: i32) -> (i32, i32) {
    %c0_i32 = arith.constant 0 : i32
    %c0_i32_0 = arith.constant 0 : i32
    %c0_i32_1 = arith.constant 0 : i32
    return %c0_i32, %c0_i32_0 : i32, i32
  }
}

</mosaic_0001>

<sc_bundles>
// kernel: kernel.10.cloned.1.call-start
scs
__scs_entry_jumppad:
0x0: {  	(pc) =	sbr.rel $0x88, $3  }
0x1: {  	(tag) =	ssettag $0x0;
	lr =	simm.s32 $0x1  }
0x2: {  	[smem:$0x3F98] =	sst lr;
	_ =	strace $0xD0000000  }
0x3: {  	_ = 	snop  }
0x4: {  	_ = 	snop  }
0x5: {  	_ = 	snop  }
0x6: {  	_ = 	snop  }
0x7: {  	_ = 	snop  }
__scs_overlays_trampoline_lowered:
0x8: {  	[smem:$0x3FA7] =	sst s0  }
0x9: {  	[smem:$0x3FA8] =	sst s1  }
0xa: {  	[smem:$0x3FA9] =	sst s2  }
0xb: {  	[smem:$0x3FAA] =	sst s3  }
0xc: {  	[smem:$0x3FAB] =	sst s4  }
0xd: {  	[smem:$0x3FAC] =	sst s5  }
0xe: {  	[smem:$0x3FAD] =	sst s6  }
0xf: {  	[smem:$0x3FAE] =	sst s7  }
0x10: {  	[smem:$0x3FAF] =	sst s8  }
0x11: {  	[smem:$0x3FB0] =	sst s9;
	s0 =	simm.s32 @!p0 $0x0  }
0x12: {  	s1 =	sld [smem:$0x3F96];
	s0 =	simm.s32 @p0 $0x1  }
0x13: {  	[smem:$0x3FB1] =	sst s0;
	s0 =	simm.s32 @!p1 $0x0  }
0x14: {  	s2 =	sld [smem:$0x3F95];
	s0 =	simm.s32 @p1 $0x1  }
0x15: {  	[smem:$0x3FB2] =	sst s0;
	s0 =	simm.s32 @!p2 $0x0  }
0x16: {  	s3 =	sld [smem:$0x3FDB];
	s0 =	simm.s32 @p2 $0x1  }
0x17: {  	s4 =	simm.s32 $0x1BF5;
	[smem:$0x3FB4] =	sst s0  }
0x18: {  	s0 =	sld [smem:$0x3F97];
	_ =	swait.ge [sflag:s4], $0x0  }
0x19: {  	s7 =	sld [smem:$0x3F98]  }
0x1a: {  	s8 =	sadd.s32 $0xFFFFE003, lr  }
0x1b: {  	s9 =	sadd.s32 $0xFFFFFEF7, lr;
	s5 =	simm.s32 $0xFFFFFFFF;
	p2 =	slt.u32 s8, $0xFFFFF086  }
0x1c: {  	p1 =	slt.u32 s9, $0xF7A;
	s5 =	simm.s32 @!p2 $0x0  }
0x1d: {  	s5 =	simm.s32 @p1 $0x1;
	p0 =	seq.s32 s7, s2  }
0x1e: {  	s7 =	smul.u32 @!p0 $0xF7A, s2;
	p2 =	seq.s32 @!p0 s5, $0x0  }
0x1f: {  	s9 =	smul.u32 $0xF7A, s1;
	s8 =	simm.s32 @!p0 $0x1BF5;
	p2 =	por !p2, p0  }
0x20: {  	[sflag:s8] =	ssyncset.s32 @!p0 $0xFFFFF086;
	s6 =	sadd.s32 @!p0 s3, s7;
	s7 =	simm.s32 @!p0 $0x108  }
0x21: {  	s3 =	sadd.s32 s3, s9;
	s6 =	sadd.s32 @!p0 $0x88, s6;
	s7 =	simm.s32 @p2 $0x1082  }
0x22: {  	[simem:s7], [sflag:s8] =	dma.local @!p0 [hbm:s6], $0xF7A  }
0x23: {  	s9 =	sor.u32 $0xD0000000, s2;
	s6 =	simm.s32 $0x108;
	_ =	swait.ge @!p0 [sflag:s8], $0x0  }
0x24: {  	s3 =	sadd.s32 $0x88, s3;
	s6 =	simm.s32 @!p1 $0x1082;
	[sflag:s4] =	ssyncset.s32 $0xFFFFF086  }
0x25: {  	[simem:s6], [sflag:s4] =	dma.local [hbm:s3], $0xF7A  }
0x26: {  	[smem:$0x3F98] =	sst s1;
	(tag) =	ssettag s2;
	_ =	strace s9  }
0x27: {  	s1 =	sld [smem:$0x3FA8]  }
0x28: {  	s2 =	sld [smem:$0x3FA9]  }
0x29: {  	s4 =	sld [smem:$0x3FAB]  }
0x2a: {  	p0 =	seq.s32 s5, $0x0;
	s5 =	sld [smem:$0x3FAC]  }
0x2b: {  	s6 =	sld [smem:$0x3FAD]  }
0x2c: {  	s7 =	sld [smem:$0x3FAE]  }
0x2d: {  	s3 =	simm.s32 $0x108;
	s8 =	sld [smem:$0x3FAF]  }
0x2e: {  	s3 =	simm.s32 @!p0 $0x1082;
	s9 =	sld [smem:$0x3FB0]  }
0x2f: {  	lr =	sadd.s32 s0, s3;
	s0 =	sld [smem:$0x3FA7]  }
0x30: {  	s3 =	sld [smem:$0x3FAA]  }
0x31: {  	[smem:$0x3FB3] =	sst s10  }
0x32: {  	s10 =	sld [smem:$0x3FB1];
	_ =	sdelay $0x3  }
0x33: {  	p0 =	seq.s32 s10, $0x1;
	s10 =	sld [smem:$0x3FB3];
	_ =	sdelay $0x3  }
0x34: {  	[smem:$0x3FB3] =	sst s10  }
0x35: {  	s10 =	sld [smem:$0x3FB2];
	_ =	sdelay $0x3  }
0x36: {  	p1 =	seq.s32 s10, $0x1;
	s10 =	sld [smem:$0x3FB3];
	_ =	sdelay $0x3  }
0x37: {  	[smem:$0x3FB3] =	sst s10  }
0x38: {  	s10 =	sld [smem:$0x3FB4]  }
0x39: {  	_ = 	snop;
	(pc) =	sbr.ind lr, $3  }
0x3a: {  	_ = 	snop  }
0x3b: {  	_ = 	snop  }
0x3c: {  	p2 =	seq.s32 s10, $0x1;
	s10 =	sld [smem:$0x3FB3]  }
0x3d: {  	_ =	shalt  }
0x3e: {  	_ =	shalt  }
0x3f: {  	_ =	shalt  }
0x40: {  	_ =	shalt  }
0x41: {  	_ =	shalt  }
0x42: {  	_ =	shalt  }
0x43: {  	_ =	shalt  }
0x44: {  	_ =	shalt  }
0x45: {  	_ =	shalt  }
0x46: {  	_ =	shalt  }
0x47: {  	_ =	shalt  }
0x48: {  	_ =	shalt  }
0x49: {  	_ =	shalt  }
0x4a: {  	_ =	shalt  }
0x4b: {  	_ =	shalt  }
0x4c: {  	_ =	shalt  }
0x4d: {  	_ =	shalt  }
0x4e: {  	_ =	shalt  }
0x4f: {  	_ =	shalt  }
0x50: {  	_ =	shalt  }
0x51: {  	_ =	shalt  }
0x52: {  	_ =	shalt  }
0x53: {  	_ =	shalt  }
0x54: {  	_ =	shalt  }
0x55: {  	_ =	shalt  }
0x56: {  	_ =	shalt  }
0x57: {  	_ =	shalt  }
0x58: {  	_ =	shalt  }
0x59: {  	_ =	shalt  }
0x5a: {  	_ =	shalt  }
0x5b: {  	_ =	shalt  }
0x5c: {  	_ =	shalt  }
0x5d: {  	_ =	shalt  }
0x5e: {  	_ =	shalt  }
0x5f: {  	_ =	shalt  }
0x60: {  	_ =	shalt  }
0x61: {  	_ =	shalt  }
0x62: {  	_ =	shalt  }
0x63: {  	_ =	shalt  }
0x64: {  	_ =	shalt  }
0x65: {  	_ =	shalt  }
0x66: {  	_ =	shalt  }
0x67: {  	_ =	shalt  }
0x68: {  	_ =	shalt  }
0x69: {  	_ =	shalt  }
0x6a: {  	_ =	shalt  }
0x6b: {  	_ =	shalt  }
0x6c: {  	_ =	shalt  }
0x6d: {  	_ =	shalt  }
0x6e: {  	_ =	shalt  }
0x6f: {  	_ =	shalt  }
0x70: {  	_ =	shalt  }
0x71: {  	_ =	shalt  }
0x72: {  	_ =	shalt  }
0x73: {  	_ =	shalt  }
0x74: {  	_ =	shalt  }
0x75: {  	_ =	shalt  }
0x76: {  	_ =	shalt  }
0x77: {  	_ =	shalt  }
0x78: {  	_ =	shalt  }
0x79: {  	_ =	shalt  }
0x7a: {  	_ =	shalt  }
0x7b: {  	_ =	shalt  }
0x7c: {  	_ =	shalt  }
0x7d: {  	_ =	shalt  }
0x7e: {  	_ =	shalt  }
0x7f: {  	_ =	shalt  }
0x80: {  	_ =	shalt  }
0x81: {  	_ =	shalt  }
0x82: {  	_ =	shalt  }
0x83: {  	_ =	shalt  }
0x84: {  	_ =	shalt  }
0x85: {  	_ =	shalt  }
0x86: {  	_ =	shalt  }
0x87: {  	_ =	shalt  }
.Lfunc_end0:
.L_simem_size_0:
called_computation.1_lowered:
.L_overlay_start_0:
0x88: {  	s2 =	sld [smem:$0x3FD9]  }
0x89: {  	s3 =	sld [smem:$0x3FFE];
	_ =	sdelay $0x1  }
0x8a: {  	s1 =	srdreg.scid  }
0x8b: {  	s0 =	sand.u32 $0x1, s1  }
0x8c: {  	s17 =	sshll.u32 s0, $0xA;
	s2 =	sadd.s32 s3, s2  }
0x8d: {  	s2 =	sadd.s32 s2, s17  }
0x8e: {  	[smem:$0x3FBF] =	sst s2  }
0x8f: {  	_ = 	snop  }
0x90: {  	(tm) =	ssettm $0x1  }
0x91: {  	s18 =	sld [smem:$0x3FFB];
	_ =	sdelay $0x3  }
0x92: {  	_ =	strace s18  }
0x93: {  	s2 =	sld [smem:$0x3FFC];
	_ =	sdelay $0x3  }
0x94: {  	_ =	strace s2  }
0x95: {  	s2 =	sld [smem:$0x3FFD];
	_ =	sdelay $0x3  }
0x96: {  	_ =	strace s2  }
0x97: {  	_ =	strace $0x8FFFFFFF  }
0x98: {  	s19 =	sld [smem:$0x3FDB];
	_ =	sdelay $0x1  }
0x99: {  	s20 =	simm.s32 $_scs_section_size  }
0x9a: {  	s4 =	simm.s32 $_size__tile_overlayer_lowered;
	s5 =	simm.s32 $_tile_overlayer_lowered  }
0x9b: {  	s6 =	simm.s32 $0x1BFF;
	s21 =	sshll.u32 s5, $0x1;
	s3 =	sadd.s32 s20, s19  }
0x9c: {  	s22 =	simm.s32 $0x0;
	s4 =	sshll.u32 s4, $0x1;
	s5 =	sadd.s32 s21, s3  }
0x9d: {  	[timem:s22], [sflag:s6] =	dma.local [hbm:s5], s4  }
0x9e: {  	_ =	swait.ge [sflag:s6], s4  }
0x9f: {  	s4 =	ssub.s32 $0x0, s4;
	[sflag:s6] =	ssyncset.done $0x0  }
0xa0: {  	[sflag:s6] =	ssyncadd.s32 s4;
	_ =	sdelay $0x1  }
0xa1: {  	s23 =	simm.s32 $0x1B8B  }
0xa2: {  	_ =	swait.ge [sflag:s23], $0x1  }
0xa3: {  	[sflag:s23] =	ssyncset.done $0x0  }
0xa4: {  	[sflag:s23] =	ssyncadd.s32 $0xFFFFFFFF  }
0xa5: {  	s4 =	sld [smem:$0x0]  }
0xa6: {  	s5 =	sand.u32 $0xFFFFFFFE, s1  }
0xa7: {  	p0 =	sne.s32 s1, s5  }
0xa8: {  	s5 =	sshll.u32 @p0 s5, $0xE  }
0xa9: {  	s5 =	sadd.s32 @p0 $0x11B8D, s5;
	s6 =	sshll.u32 @p0 s4, $0x11  }
0xaa: {  	s5 =	sor.u32 @p0 s6, s5  }
0xab: {  	[sflag:s5] =	ssyncadd.remote.s32 @p0 $0x1;
	_ =	sdelay $0x1  }
0xac: {  	s5 =	simm.s32 @p0 $0x1B8D  }
0xad: {  	_ =	swait.eq @p0 [sflag:s5], $0x1  }
0xae: {  	[sflag:s5] =	ssyncadd.s32 @p0 $0xFFFFFFFF  }
0xaf: {  	s6 =	sshll.u32 @!p0 s1, $0xE  }
0xb0: {  	s6 =	sor.u32 @!p0 $0x4000, s6;
	s5 =	simm.s32 @!p0 $0x1B8D  }
0xb1: {  	s4 =	sshll.u32 @!p0 s4, $0x11;
	s6 =	sadd.s32 @!p0 $0x11B8D, s6;
	_ =	swait.eq @!p0 [sflag:s5], $0x1  }
0xb2: {  	s4 =	sor.u32 @!p0 s4, s6;
	[sflag:s5] =	ssyncadd.s32 @!p0 $0xFFFFFFFF  }
0xb3: {  	s25 =	simm.s32 $0x1B8E;
	s24 =	sld [smem:$0x3FFE];
	[sflag:s4] =	ssyncadd.remote.s32 @!p0 $0x1  }
0xb4: {  	s26 =	simm.s32 $execute0_lowered;
	[smem:$0x3FD2] =	sst s25  }
0xb5: {  	s5 =	sshll.u32 s26, $0x1;
	_ =	strace $0x80000049;
	[dreg:$0x1] =	wrdreg $0xFFFFFFFF  }
0xb6: {  	s28 =	simm.s32 $_size_execute0_lowered;
	s3 =	sadd.s32 s3, s5;
	[dreg:$0x0] =	wrdreg $0x0  }
0xb7: {  	s5 =	sshll.u32 s28, $0x1;
	[dreg:$0x2] =	wrdreg s3  }
0xb8: {  	[dreg:$0x3] =	wrdreg s5  }
0xb9: {  	[dreg:$0x4] =	wrdreg $0xC0  }
0xba: {  	_ =	task [dreg:s22], $0x5FFFF  }
0xbb: {  	[dreg:$0x1] =	wrdreg $0xFFFFFFFF  }
0xbc: {  	[dreg:$0x0] =	wrdreg $0x60  }
0xbd: {  	[dreg:$0x2] =	wrdreg s24  }
0xbe: {  	[dreg:$0x3] =	wrdreg $0xA  }
0xbf: {  	_ =	task.clear_ibuf [dreg:s22], $0x4FFFF;
	_ =	strace $0x90000049  }
0xc0: {  	s29 =	simm.s32 $0xA;
	_ =	strace $0x8000004B  }
0xc1: {  	_ =	swait.ge [sflag:s29], $0x1  }
0xc2: {  	[sflag:s29] =	ssyncadd.s32 $0xFFFFFFFF  }
0xc3: {  	_ =	strace $0x9000004B  }
0xc4: {  	_ =	sfence  }
0xc5: {  	s30 =	sld [smem:$0x0];
	_ =	sdelay $0x2  }
0xc6: {  	s31 =	sshll.u32 s1, $0xD;
	s1 =	sshrl.u32 s1, $0x2  }
0xc7: {  	s4 =	sand.u32 $0x4000, s31;
	s1 =	sadd.s32 s1, s30  }
0xc8: {  	s0 =	sor.u32 s4, s0;
	s1 =	sshll.u32 s1, $0x11  }
0xc9: {  	s0 =	sor.u32 s1, s0  }
0xca: {  	s0 =	sadd.s32 $0x8F2B, s0  }
0xcb: {  	[sflag:s0] =	ssyncadd.remote.s32 $0x1  }
0xcc: {  	_ =	sfence.sel $0xFFFF  }
0xcd: {  	[dreg:$0x0] =	wrdreg $0xFFFFFFFF;
	(pc) =	sbr.abs _section_cstart, $3  }
0xce: {  	[dreg:$0x1] =	wrdreg $0xFFFFFFFF  }
0xcf: {  	_ =	task.clear_ibuf [dreg:s22], $0x2FFFF;
	_ =	strace $0x9FFFFFFF  }
0xd0: {  	(tm) =	ssettm $0x7FFFFFFF  }
0xd1: {  	_ =	shalt  }
tec
execute0_lowered:
.L_overlay_start_1:
0x0: {  	(tag) =	ssettag $0x1  }
0x1: {  	s1 =	srdreg.scid  }
0x2: {  	s0 =	stileid.u32;
	s14 =	sand.u32 $0x1, s1  }
0x3: {  	s29 =	sshll.u32 s0, $0xA;
	s2 =	sshll.u32 s14, $0x9  }
0x4: {  	s15 =	rddreg [dreg:$0x0];
	s16 =	sor.u32 s2, s29  }
0x5: {  	s1 =	rddreg [dreg:$0x1];
	s2 =	simm.s32 $0x0;
	s3 =	sshrl.u32 s16, $0x3  }
0x6: {  	[smem:$0x7FF] =	sst s2;
	s3 =	sadd.s32 s3, s15  }
0x7: {  	_ =	strace $0x8000004A;
	s4 =	sadd.s32 $0x1106C00, s3;
	s3 =	simm.s32 $0x2  }
0x8: {  	[tilespmem:s2], [sflag:$0x2] =	stream.linear.gather [hbm4b:s4+s2], $0x200, $0x38;
	[tilespmem:$0x14200] =	vst v63  }
0x9: {  	_ =	swait.ge [sflag:s3], $0x200  }
0xa: {  	s6 =	simm.s32 $0x80;
	[sflag:s3] =	ssyncset.done $0x0  }
0xb: {  	s7 =	simm.s32 $0x200;
	s5 =	sadd.s32 $0x946400, s15;
	[sflag:s3] =	ssyncadd.s32 $0xFFFFFE00  }
0xc: {  	[tilespmem:s7], [sflag:$0x1] =	stream.indirect.gather [hbm4b:s5+s6], $0x80, s2, s6, $0xb8;
	[tilespmem:$0x14200] =	vst v63  }
0xd: {  	s8 =	simm.s32 $0x4200  }
0xe: {  	[tilespmem:s8], [sflag:$0x1] =	stream.indirect.gather [hbm4b:s5+s6], $0x80, s6, s6, $0xb8;
	[tilespmem:$0x14200] =	vst v63  }
0xf: {  	s9 =	simm.s32 $0x100;
	s10 =	simm.s32 $0x8200  }
0x10: {  	[tilespmem:s10], [sflag:$0x1] =	stream.indirect.gather [hbm4b:s5+s6], $0x80, s9, s6, $0xb8;
	[tilespmem:$0x14200] =	vst v63  }
0x11: {  	s11 =	simm.s32 $0x180;
	s12 =	simm.s32 $0xC200;
	s13 =	simm.s32 $0x1  }
0x12: {  	[tilespmem:s12], [sflag:$0x1] =	stream.indirect.gather [hbm4b:s5+s6], $0x80, s11, s6, $0xb8;
	[tilespmem:$0x14200] =	vst v63  }
0x13: {  	_ =	swait.ge [sflag:s13], $0x4000  }
0x14: {  	[sflag:s13] =	ssyncset.done $0x0  }
0x15: {  	[sflag:s13] =	ssyncadd.s32 $0xFFFFC000  }
0x16: {  	_ =	swait.ge [sflag:s13], $0x4000  }
0x17: {  	[sflag:s13] =	ssyncset.done $0x0  }
0x18: {  	s14 =	ssub.s32 $0x2, s14;
	[sflag:s13] =	ssyncadd.s32 $0xFFFFC000  }
0x19: {  	s17 =	sshrl.u32 s14, $0x1;
	_ =	swait.ge [sflag:s13], $0x4000  }
0x1a: {  	s30 =	ssub.s32 s14, s17;
	[sflag:s13] =	ssyncset.done $0x0  }
0x1b: {  	s31 =	smax.u32 s30, $0x1;
	[sflag:s13] =	ssyncadd.s32 $0xFFFFC000  }
0x1c: {  	s16 =	sshll.u32 s16, $0x4;
	p0 =	sne.s32 s31, $0x1;
	_ =	swait.ge [sflag:s13], $0x4000  }
.Ltmp0:
0x1d: {  	s15 =	sadd.s32 s16, s15;
	[sflag:s13] =	ssyncset.done $0x0;
	(pc) =	sbr.rel @!p0 .LBB2_2-.Ltmp0, $4  }
0x1e: {  	s14 =	sadd.s32 $0x1107400, s15;
	[sflag:s13] =	ssyncadd.s32 $0xFFFFC000  }
0x1f: {  	[hbm4b:s14+s2] =	stream.linear.scatter [tilespmem:s7], [sflag:$0x2], $0x10000, $0x38;
	[tilespmem:$0x14200] =	vst v63  }
0x20: {  	_ =	swait.ge [sflag:s3], $0x10000  }
0x21: {  	s15 =	sadd.s32 $0xFFFFFFFF, s31;
	[sflag:s3] =	ssyncset.done $0x0  }
.LBB2_1:
0x22: {  	p0 =	sne.s32 s15, $0x1;
	s15 =	sadd.s32 $0xFFFFFFFF, s15;
	[sflag:s3] =	ssyncadd.s32 $0xFFFF0000  }
0x23: {  	[tilespmem:s2], [sflag:$0x2] =	stream.linear.gather [hbm4b:s4+s2], $0x200, $0x38;
	[tilespmem:$0x14200] =	vst v63  }
0x24: {  	_ =	swait.ge [sflag:s3], $0x200  }
0x25: {  	[sflag:s3] =	ssyncset.done $0x0  }
0x26: {  	[sflag:s3] =	ssyncadd.s32 $0xFFFFFE00  }
0x27: {  	[tilespmem:s7], [sflag:$0x1] =	stream.indirect.gather [hbm4b:s5+s6], $0x80, s2, s6, $0xb8;
	[tilespmem:$0x14200] =	vst v63  }
0x28: {  	_ = 	snop  }
0x29: {  	[tilespmem:s8], [sflag:$0x1] =	stream.indirect.gather [hbm4b:s5+s6], $0x80, s6, s6, $0xb8;
	[tilespmem:$0x14200] =	vst v63  }
0x2a: {  	_ = 	snop  }
0x2b: {  	[tilespmem:s10], [sflag:$0x1] =	stream.indirect.gather [hbm4b:s5+s6], $0x80, s9, s6, $0xb8;
	[tilespmem:$0x14200] =	vst v63  }
0x2c: {  	_ = 	snop  }
0x2d: {  	[tilespmem:s12], [sflag:$0x1] =	stream.indirect.gather [hbm4b:s5+s6], $0x80, s11, s6, $0xb8;
	[tilespmem:$0x14200] =	vst v63  }
0x2e: {  	_ =	swait.ge [sflag:s13], $0x4000  }
0x2f: {  	[sflag:s13] =	ssyncset.done $0x0  }
0x30: {  	[sflag:s13] =	ssyncadd.s32 $0xFFFFC000  }
0x31: {  	_ =	swait.ge [sflag:s13], $0x4000  }
0x32: {  	[sflag:s13] =	ssyncset.done $0x0  }
0x33: {  	[sflag:s13] =	ssyncadd.s32 $0xFFFFC000  }
0x34: {  	_ =	swait.ge [sflag:s13], $0x4000  }
0x35: {  	[sflag:s13] =	ssyncset.done $0x0  }
0x36: {  	[sflag:s13] =	ssyncadd.s32 $0xFFFFC000  }
0x37: {  	_ =	swait.ge [sflag:s13], $0x4000  }
.Ltmp1:
0x38: {  	[sflag:s13] =	ssyncset.done $0x0;
	(pc) =	sbr.rel @p0 .LBB2_1-.Ltmp1, $4  }
0x39: {  	[sflag:s13] =	ssyncadd.s32 $0xFFFFC000  }
0x3a: {  	[hbm4b:s14+s2] =	stream.linear.scatter [tilespmem:s7], [sflag:$0x2], $0x10000, $0x38;
	[tilespmem:$0x14200] =	vst v63  }
0x3b: {  	_ =	swait.ge [sflag:s3], $0x10000  }
0x3c: {  	[sflag:s3] =	ssyncset.done $0x0  }
.LBB2_2:
0x3d: {  	[sflag:s3] =	ssyncadd.s32 $0xFFFF0000  }
0x3e: {  	_ =	sfence.sel $0x180000  }
0x3f: {  	[bflag:$0x0] =	sbarrier.arrive $0xFFFF  }
0x40: {  	p0 =	sne.s32 s0, $0x0;
	_ =	strace $0x9000004A  }
0x41: {  	s0 =	sadd.s32 @!p0 $0x100000, s1;
	[bflag:$0x2] =	sbarrier.arrive $0xFFFF  }
0x42: {  	[sflag:s0] =	ssyncadd.tile.s32 @!p0 $0x1;
	_ =	shalt  }
.Lfunc_end2:
_tile_overlayer_lowered:
.L_overlay_start_2:
0x43: {  	(tag) =	ssettag $0x2  }
0x44: {  	s0 =	rddreg [dreg:$0x0];
	s2 =	stileid.u32  }
0x45: {  	s1 =	rddreg [dreg:$0x1];
	p0 =	sne.s32 s2, $0x0  }
0x46: {  	s3 =	rddreg [dreg:$0x2];
	[bflag:$0x3] =	sbarrier.arrive $0xFFFF;
	s2 =	simm.s32 @!p0 $0x1C02  }
0x47: {  	[timem:s3], [sflag:s2] =	dma.local @!p0 [hbm:s0], s1  }
0x48: {  	s0 =	simm.s32 @!p0 $0x2  }
0x49: {  	_ =	swait.ge @!p0 [sflag:s0], s1  }
0x4a: {  	s1 =	ssub.s32 @!p0 $0x0, s1;
	[sflag:s0] =	ssyncset.done @!p0 $0x0  }
0x4b: {  	[sflag:s0] =	ssyncadd.s32 @!p0 s1  }
0x4c: {  	[bflag:$0x3] =	sbarrier.arrive $0xFFFF  }
0x4d: {  	_ =	shalt  }

// kernel: kernel.7.cloned.1.call-start
scs
__scs_entry_jumppad:
0x0: {  	(pc) =	sbr.rel $0x88, $3  }
0x1: {  	(tag) =	ssettag $0x0;
	lr =	simm.s32 $0x1  }
0x2: {  	[smem:$0x3F98] =	sst lr;
	_ =	strace $0xD0000000  }
0x3: {  	_ = 	snop  }
0x4: {  	_ = 	snop  }
0x5: {  	_ = 	snop  }
0x6: {  	_ = 	snop  }
0x7: {  	_ = 	snop  }
__scs_overlays_trampoline_lowered:
0x8: {  	[smem:$0x3FA7] =	sst s0  }
0x9: {  	[smem:$0x3FA8] =	sst s1  }
0xa: {  	[smem:$0x3FA9] =	sst s2  }
0xb: {  	[smem:$0x3FAA] =	sst s3  }
0xc: {  	[smem:$0x3FAB] =	sst s4  }
0xd: {  	[smem:$0x3FAC] =	sst s5  }
0xe: {  	[smem:$0x3FAD] =	sst s6  }
0xf: {  	[smem:$0x3FAE] =	sst s7  }
0x10: {  	[smem:$0x3FAF] =	sst s8  }
0x11: {  	[smem:$0x3FB0] =	sst s9;
	s0 =	simm.s32 @!p0 $0x0  }
0x12: {  	s1 =	sld [smem:$0x3F96];
	s0 =	simm.s32 @p0 $0x1  }
0x13: {  	[smem:$0x3FB1] =	sst s0;
	s0 =	simm.s32 @!p1 $0x0  }
0x14: {  	s2 =	sld [smem:$0x3F95];
	s0 =	simm.s32 @p1 $0x1  }
0x15: {  	[smem:$0x3FB2] =	sst s0;
	s0 =	simm.s32 @!p2 $0x0  }
0x16: {  	s3 =	sld [smem:$0x3FDB];
	s0 =	simm.s32 @p2 $0x1  }
0x17: {  	s4 =	simm.s32 $0x1BF5;
	[smem:$0x3FB4] =	sst s0  }
0x18: {  	s0 =	sld [smem:$0x3F97];
	_ =	swait.ge [sflag:s4], $0x0  }
0x19: {  	s7 =	sld [smem:$0x3F98]  }
0x1a: {  	s8 =	sadd.s32 $0xFFFFE003, lr  }
0x1b: {  	s9 =	sadd.s32 $0xFFFFFEF7, lr;
	s5 =	simm.s32 $0xFFFFFFFF;
	p2 =	slt.u32 s8, $0xFFFFF086  }
0x1c: {  	p1 =	slt.u32 s9, $0xF7A;
	s5 =	simm.s32 @!p2 $0x0  }
0x1d: {  	s5 =	simm.s32 @p1 $0x1;
	p0 =	seq.s32 s7, s2  }
0x1e: {  	s7 =	smul.u32 @!p0 $0xF7A, s2;
	p2 =	seq.s32 @!p0 s5, $0x0  }
0x1f: {  	s9 =	smul.u32 $0xF7A, s1;
	s8 =	simm.s32 @!p0 $0x1BF5;
	p2 =	por !p2, p0  }
0x20: {  	[sflag:s8] =	ssyncset.s32 @!p0 $0xFFFFF086;
	s6 =	sadd.s32 @!p0 s3, s7;
	s7 =	simm.s32 @!p0 $0x108  }
0x21: {  	s3 =	sadd.s32 s3, s9;
	s6 =	sadd.s32 @!p0 $0x88, s6;
	s7 =	simm.s32 @p2 $0x1082  }
0x22: {  	[simem:s7], [sflag:s8] =	dma.local @!p0 [hbm:s6], $0xF7A  }
0x23: {  	s9 =	sor.u32 $0xD0000000, s2;
	s6 =	simm.s32 $0x108;
	_ =	swait.ge @!p0 [sflag:s8], $0x0  }
0x24: {  	s3 =	sadd.s32 $0x88, s3;
	s6 =	simm.s32 @!p1 $0x1082;
	[sflag:s4] =	ssyncset.s32 $0xFFFFF086  }
0x25: {  	[simem:s6], [sflag:s4] =	dma.local [hbm:s3], $0xF7A  }
0x26: {  	[smem:$0x3F98] =	sst s1;
	(tag) =	ssettag s2;
	_ =	strace s9  }
0x27: {  	s1 =	sld [smem:$0x3FA8]  }
0x28: {  	s2 =	sld [smem:$0x3FA9]  }
0x29: {  	s4 =	sld [smem:$0x3FAB]  }
0x2a: {  	p0 =	seq.s32 s5, $0x0;
	s5 =	sld [smem:$0x3FAC]  }
0x2b: {  	s6 =	sld [smem:$0x3FAD]  }
0x2c: {  	s7 =	sld [smem:$0x3FAE]  }
0x2d: {  	s3 =	simm.s32 $0x108;
	s8 =	sld [smem:$0x3FAF]  }
0x2e: {  	s3 =	simm.s32 @!p0 $0x1082;
	s9 =	sld [smem:$0x3FB0]  }
0x2f: {  	lr =	sadd.s32 s0, s3;
	s0 =	sld [smem:$0x3FA7]  }
0x30: {  	s3 =	sld [smem:$0x3FAA]  }
0x31: {  	[smem:$0x3FB3] =	sst s10  }
0x32: {  	s10 =	sld [smem:$0x3FB1];
	_ =	sdelay $0x3  }
0x33: {  	p0 =	seq.s32 s10, $0x1;
	s10 =	sld [smem:$0x3FB3];
	_ =	sdelay $0x3  }
0x34: {  	[smem:$0x3FB3] =	sst s10  }
0x35: {  	s10 =	sld [smem:$0x3FB2];
	_ =	sdelay $0x3  }
0x36: {  	p1 =	seq.s32 s10, $0x1;
	s10 =	sld [smem:$0x3FB3];
	_ =	sdelay $0x3  }
0x37: {  	[smem:$0x3FB3] =	sst s10  }
0x38: {  	s10 =	sld [smem:$0x3FB4]  }
0x39: {  	_ = 	snop;
	(pc) =	sbr.ind lr, $3  }
0x3a: {  	_ = 	snop  }
0x3b: {  	_ = 	snop  }
0x3c: {  	p2 =	seq.s32 s10, $0x1;
	s10 =	sld [smem:$0x3FB3]  }
0x3d: {  	_ =	shalt  }
0x3e: {  	_ =	shalt  }
0x3f: {  	_ =	shalt  }
0x40: {  	_ =	shalt  }
0x41: {  	_ =	shalt  }
0x42: {  	_ =	shalt  }
0x43: {  	_ =	shalt  }
0x44: {  	_ =	shalt  }
0x45: {  	_ =	shalt  }
0x46: {  	_ =	shalt  }
0x47: {  	_ =	shalt  }
0x48: {  	_ =	shalt  }
0x49: {  	_ =	shalt  }
0x4a: {  	_ =	shalt  }
0x4b: {  	_ =	shalt  }
0x4c: {  	_ =	shalt  }
0x4d: {  	_ =	shalt  }
0x4e: {  	_ =	shalt  }
0x4f: {  	_ =	shalt  }
0x50: {  	_ =	shalt  }
0x51: {  	_ =	shalt  }
0x52: {  	_ =	shalt  }
0x53: {  	_ =	shalt  }
0x54: {  	_ =	shalt  }
0x55: {  	_ =	shalt  }
0x56: {  	_ =	shalt  }
0x57: {  	_ =	shalt  }
0x58: {  	_ =	shalt  }
0x59: {  	_ =	shalt  }
0x5a: {  	_ =	shalt  }
0x5b: {  	_ =	shalt  }
0x5c: {  	_ =	shalt  }
0x5d: {  	_ =	shalt  }
0x5e: {  	_ =	shalt  }
0x5f: {  	_ =	shalt  }
0x60: {  	_ =	shalt  }
0x61: {  	_ =	shalt  }
0x62: {  	_ =	shalt  }
0x63: {  	_ =	shalt  }
0x64: {  	_ =	shalt  }
0x65: {  	_ =	shalt  }
0x66: {  	_ =	shalt  }
0x67: {  	_ =	shalt  }
0x68: {  	_ =	shalt  }
0x69: {  	_ =	shalt  }
0x6a: {  	_ =	shalt  }
0x6b: {  	_ =	shalt  }
0x6c: {  	_ =	shalt  }
0x6d: {  	_ =	shalt  }
0x6e: {  	_ =	shalt  }
0x6f: {  	_ =	shalt  }
0x70: {  	_ =	shalt  }
0x71: {  	_ =	shalt  }
0x72: {  	_ =	shalt  }
0x73: {  	_ =	shalt  }
0x74: {  	_ =	shalt  }
0x75: {  	_ =	shalt  }
0x76: {  	_ =	shalt  }
0x77: {  	_ =	shalt  }
0x78: {  	_ =	shalt  }
0x79: {  	_ =	shalt  }
0x7a: {  	_ =	shalt  }
0x7b: {  	_ =	shalt  }
0x7c: {  	_ =	shalt  }
0x7d: {  	_ =	shalt  }
0x7e: {  	_ =	shalt  }
0x7f: {  	_ =	shalt  }
0x80: {  	_ =	shalt  }
0x81: {  	_ =	shalt  }
0x82: {  	_ =	shalt  }
0x83: {  	_ =	shalt  }
0x84: {  	_ =	shalt  }
0x85: {  	_ =	shalt  }
0x86: {  	_ =	shalt  }
0x87: {  	_ =	shalt  }
.Lfunc_end0:
.L_simem_size_0:
called_computation_lowered:
.L_overlay_start_0:
0x88: {  	s2 =	sld [smem:$0x3FD9]  }
0x89: {  	s3 =	sld [smem:$0x3FFE];
	_ =	sdelay $0x1  }
0x8a: {  	s1 =	srdreg.scid  }
0x8b: {  	s0 =	sand.u32 $0x1, s1  }
0x8c: {  	s16 =	sshll.u32 s0, $0xA;
	s2 =	sadd.s32 s3, s2  }
0x8d: {  	s2 =	sadd.s32 s2, s16  }
0x8e: {  	[smem:$0x3FBF] =	sst s2  }
0x8f: {  	_ = 	snop  }
0x90: {  	(tm) =	ssettm $0x1  }
0x91: {  	s17 =	sld [smem:$0x3FFB];
	_ =	sdelay $0x3  }
0x92: {  	_ =	strace s17  }
0x93: {  	s2 =	sld [smem:$0x3FFC];
	_ =	sdelay $0x3  }
0x94: {  	_ =	strace s2  }
0x95: {  	s2 =	sld [smem:$0x3FFD];
	_ =	sdelay $0x3  }
0x96: {  	_ =	strace s2  }
0x97: {  	_ =	strace $0x8FFFFFFF  }
0x98: {  	s18 =	sld [smem:$0x3FDB];
	_ =	sdelay $0x1  }
0x99: {  	s19 =	simm.s32 $_scs_section_size  }
0x9a: {  	s4 =	simm.s32 $_size__tile_overlayer_lowered;
	s5 =	simm.s32 $_tile_overlayer_lowered  }
0x9b: {  	s22 =	simm.s32 $0x1BFF;
	s21 =	sshll.u32 s5, $0x1;
	s2 =	sadd.s32 s19, s18  }
0x9c: {  	s6 =	simm.s32 $0x0;
	s20 =	sshll.u32 s4, $0x1;
	s4 =	sadd.s32 s21, s2  }
0x9d: {  	[timem:s6], [sflag:s22] =	dma.local [hbm:s4], s20  }
0x9e: {  	_ =	swait.ge [sflag:s22], s20  }
0x9f: {  	s3 =	ssub.s32 $0x0, s20;
	[sflag:s22] =	ssyncset.done $0x0  }
0xa0: {  	[sflag:s22] =	ssyncadd.s32 s3;
	_ =	sdelay $0x1  }
0xa1: {  	s23 =	simm.s32 $0x1B8B  }
0xa2: {  	_ =	swait.ge [sflag:s23], $0x1  }
0xa3: {  	[sflag:s23] =	ssyncset.done $0x0  }
0xa4: {  	s25 =	simm.s32 $0x1B8E;
	s24 =	sld [smem:$0x3FFE];
	[sflag:s23] =	ssyncadd.s32 $0xFFFFFFFF  }
0xa5: {  	s26 =	simm.s32 $execute0_lowered;
	[smem:$0x3FD2] =	sst s25  }
0xa6: {  	s4 =	sshll.u32 s26, $0x1;
	_ =	strace $0x80000046;
	[dreg:$0x1] =	wrdreg $0xFFFFFFFF  }
0xa7: {  	s28 =	simm.s32 $_size_execute0_lowered;
	s2 =	sadd.s32 s2, s4;
	[dreg:$0x0] =	wrdreg $0x0  }
0xa8: {  	s4 =	sshll.u32 s28, $0x1;
	[dreg:$0x2] =	wrdreg s2  }
0xa9: {  	[dreg:$0x3] =	wrdreg s4  }
0xaa: {  	[dreg:$0x4] =	wrdreg $0xC0  }
0xab: {  	_ =	task [dreg:s6], $0x5FFFF  }
0xac: {  	[dreg:$0x1] =	wrdreg $0xFFFFFFFF  }
0xad: {  	[dreg:$0x0] =	wrdreg $0x60  }
0xae: {  	[dreg:$0x2] =	wrdreg s24  }
0xaf: {  	[dreg:$0x3] =	wrdreg $0x9  }
0xb0: {  	_ =	task.clear_ibuf [dreg:s6], $0x4FFFF;
	_ =	strace $0x90000046  }
0xb1: {  	s29 =	simm.s32 $0x9;
	_ =	strace $0x80000048  }
0xb2: {  	_ =	swait.ge [sflag:s29], $0x1  }
0xb3: {  	[sflag:s29] =	ssyncadd.s32 $0xFFFFFFFF  }
0xb4: {  	_ =	strace $0x90000048  }
0xb5: {  	_ =	sfence  }
0xb6: {  	s30 =	sld [smem:$0x0];
	_ =	sdelay $0x2  }
0xb7: {  	s31 =	sshll.u32 s1, $0xD;
	s1 =	sshrl.u32 s1, $0x2  }
0xb8: {  	s3 =	sand.u32 $0x4000, s31;
	s1 =	sadd.s32 s1, s30  }
0xb9: {  	s0 =	sor.u32 s3, s0;
	s1 =	sshll.u32 s1, $0x11  }
0xba: {  	s0 =	sor.u32 s1, s0  }
0xbb: {  	s0 =	sadd.s32 $0x8F2B, s0  }
0xbc: {  	[sflag:s0] =	ssyncadd.remote.s32 $0x1  }
0xbd: {  	_ =	sfence.sel $0xFFFF  }
0xbe: {  	[dreg:$0x0] =	wrdreg $0xFFFFFFFF;
	(pc) =	sbr.abs _section_cstart, $3  }
0xbf: {  	[dreg:$0x1] =	wrdreg $0xFFFFFFFF  }
0xc0: {  	_ =	task.clear_ibuf [dreg:s6], $0x2FFFF;
	_ =	strace $0x9FFFFFFF  }
0xc1: {  	(tm) =	ssettm $0x7FFFFFFF  }
tec
execute0_lowered:
.L_overlay_start_1:
0x0: {  	(tag) =	ssettag $0x1  }
0x1: {  	s0 =	rddreg [dreg:$0x0]  }
0x2: {  	s12 =	rddreg [dreg:$0x1]  }
0x3: {  	s1 =	srdreg.scid;
	s3 =	stileid.u32;
	s2 =	simm.s32 $0x0  }
0x4: {  	s24 =	simm.s32 $0x100;
	s25 =	simm.s32 $0x180;
	s9 =	simm.s32 $0x8E00  }
0x5: {  	s10 =	simm.s32 $0xCE00;
	s28 =	simm.s32 $0x200;
	s26 =	simm.s32 $0x280  }
0x6: {  	s30 =	simm.s32 $0x300;
	s31 =	simm.s32 $0x380;
	s11 =	simm.s32 $0x10E00  }
0x7: {  	s23 =	simm.s32 $0x480;
	s29 =	simm.s32 $0x680;
	p0 =	por $0x0, $0x0  }
0x8: {  	s13 =	simm.s32 $0x980;
	s14 =	simm.s32 $0xA00;
	s15 =	simm.s32 $0xA80  }
0x9: {  	s16 =	simm.s32 $0xB00;
	s1 =	sand.u32 $0x1, s1;
	[smem:$0x7FF] =	sst s2  }
0xa: {  	s3 =	sshll.u32 s3, $0x1;
	_ =	strace $0x80000047;
	[dreg:$0x9] =	wrdreg s24  }
0xb: {  	s4 =	sor.u32 s1, s3;
	s3 =	sadd.s32 $0x6400, s0;
	[dreg:$0xa] =	wrdreg s25  }
0xc: {  	s1 =	ssub.s32 $0x2, s1;
	[dreg:$0xb] =	wrdreg s26;
	s24 =	simm.s32 $0x500  }
0xd: {  	s25 =	simm.s32 $0x580;
	s26 =	simm.s32 $0x600;
	s5 =	smul.u32 $0x180, s4  }
0xe: {  	s6 =	sshll.u32 s4, $0x6;
	s7 =	sshll.u32 s4, $0xD;
	s8 =	smul.u32 $0x50000, s4  }
0xf: {  	s4 =	smul.u32 $0xA000, s4;
	s20 =	sshrl.u32 s1, $0x1;
	s6 =	sadd.s32 s6, s0  }
0x10: {  	s7 =	sadd.s32 s7, s0;
	s1 =	ssub.s32 s1, s20;
	s20 =	simm.s32 $0x800  }
0x11: {  	s5 =	sadd.s32 s5, s0;
	s0 =	sadd.s32 $0x806400, s0;
	s6 =	sadd.s32 $0x5C00, s6  }
0x12: {  	s17 =	sadd.s32 $0x7C6400, s7;
	s18 =	sshrl.u32 s8, $0x3;
	s22 =	smax.u32 s1, $0x1  }
0x13: {  	s7 =	simm.s32 $0x80;
	s8 =	simm.s32 $0x4E00;
	[dreg:$0x2] =	wrdreg s6  }
0x14: {  	[dreg:$0x3] =	wrdreg s17;
	s5 =	sadd.s32 $0x2400, s5;
	s4 =	sadd.s32 s0, s4  }
0x15: {  	s0 =	sadd.s32 s0, s18;
	s6 =	simm.s32 $0x1;
	[dreg:$0x4] =	wrdreg s5  }
0x16: {  	s18 =	simm.s32 $0x400;
	p1 =	sne.s32 s22, $0x1;
	[dreg:$0x5] =	wrdreg s4  }
.Ltmp0:
0x17: {  	s19 =	sadd.s32 $0x2800, s0;
	s1 =	rddreg [dreg:$0x2];
	(pc) =	sbr.rel @!p1 .LBB2_1-.Ltmp0, $4  }
0x18: {  	s17 =	simm.s32 $0xB80;
	s21 =	sadd.s32 $0x5000, s0;
	[dreg:$0x6] =	wrdreg s19  }
0x19: {  	s0 =	sadd.s32 $0x7800, s0;
	s4 =	simm.s32 $0x2;
	[dreg:$0x7] =	wrdreg s21  }
0x1a: {  	s5 =	simm.s32 $0xE00;
	[dreg:$0x8] =	wrdreg s0;
	s19 =	simm.s32 $0x780  }
0x1b: {  	s21 =	simm.s32 $0x880;
	s0 =	sadd.s32 $0xFFFFFFFF, s22;
	s22 =	simm.s32 $0x900  }
0x1c: {  	[tilespmem:s2], [sflag:$0x2] =	stream.linear.gather [hbm4b:s1+s2], $0x200, $0x38;
	[tilespmem:$0x14E00] =	vst v63  }
0x1d: {  	_ =	swait.ge [sflag:s4], $0x200  }
0x1e: {  	[sflag:s4] =	ssyncset.done $0x0  }
0x1f: {  	[sflag:s4] =	ssyncadd.s32 $0xFFFFFE00  }
0x20: {  	[tilespmem:s5], [sflag:$0x1] =	stream.indirect.gather [hbm4b:s3+s7], $0x80, s2, s7, $0xb8;
	[tilespmem:$0x14E00] =	vst v63  }
0x21: {  	_ = 	snop  }
0x22: {  	[tilespmem:s8], [sflag:$0x1] =	stream.indirect.gather [hbm4b:s3+s7], $0x80, s7, s7, $0xb8;
	[tilespmem:$0x14E00] =	vst v63  }
0x23: {  	s1 =	rddreg [dreg:$0x9]  }
0x24: {  	[tilespmem:s9], [sflag:$0x1] =	stream.indirect.gather [hbm4b:s3+s7], $0x80, s1, s7, $0xb8;
	[tilespmem:$0x14E00] =	vst v63  }
0x25: {  	s12 =	smov.u32 s0;
	s0 =	rddreg [dreg:$0xa]  }
0x26: {  	[tilespmem:s10], [sflag:$0x1] =	stream.indirect.gather [hbm4b:s3+s7], $0x80, s0, s7, $0xb8;
	[tilespmem:$0x14E00] =	vst v63  }
0x27: {  	_ =	swait.ge [sflag:s6], $0x4000  }
0x28: {  	[sflag:s6] =	ssyncset.done $0x0  }
0x29: {  	[sflag:s6] =	ssyncadd.s32 $0xFFFFC000  }
0x2a: {  	_ =	swait.ge [sflag:s6], $0x4000  }
0x2b: {  	[sflag:s6] =	ssyncset.done $0x0  }
0x2c: {  	[sflag:s6] =	ssyncadd.s32 $0xFFFFC000  }
0x2d: {  	_ =	swait.ge [sflag:s6], $0x4000  }
0x2e: {  	[sflag:s6] =	ssyncset.done $0x0  }
0x2f: {  	[sflag:s6] =	ssyncadd.s32 $0xFFFFC000  }
0x30: {  	_ =	swait.ge [sflag:s6], $0x4000  }
0x31: {  	[sflag:s6] =	ssyncset.done $0x0  }
0x32: {  	s1 =	rddreg [dreg:$0x3];
	[sflag:s6] =	ssyncadd.s32 $0xFFFFC000  }
0x33: {  	[hbm4b:s1+s2] =	stream.linear.scatter [tilespmem:s5], [sflag:$0x2], $0x10000, $0x38;
	[tilespmem:$0x14E00] =	vst v63  }
0x34: {  	_ =	swait.ge [sflag:s4], $0x10000  }
0x35: {  	[sflag:s4] =	ssyncset.done $0x0  }
0x36: {  	s1 =	rddreg [dreg:$0x4];
	[sflag:s4] =	ssyncadd.s32 $0xFFFF0000  }
0x37: {  	[tilespmem:s28], [sflag:$0x2] =	stream.linear.gather [hbm4b:s1+s2], $0xA00, $0x38;
	[tilespmem:$0x14E00] =	vst v63  }
0x38: {  	_ =	swait.ge [sflag:s4], $0xA00  }
0x39: {  	[sflag:s4] =	ssyncset.done $0x0  }
0x3a: {  	[sflag:s4] =	ssyncadd.s32 $0xFFFFF600  }
0x3b: {  	[tilespmem:s5], [sflag:$0x1] =	stream.indirect.gather [hbm4b:s3+s7], $0x80, s28, s7, $0xb8;
	[tilespmem:$0x14E00] =	vst v63  }
0x3c: {  	s1 =	rddreg [dreg:$0xb]  }
0x3d: {  	[tilespmem:s8], [sflag:$0x1] =	stream.indirect.gather [hbm4b:s3+s7], $0x80, s1, s7, $0xb8;
	[tilespmem:$0x14E00] =	vst v63  }
0x3e: {  	_ = 	snop  }
0x3f: {  	[tilespmem:s9], [sflag:$0x1] =	stream.indirect.gather [hbm4b:s3+s7], $0x80, s30, s7, $0xb8;
	[tilespmem:$0x14E00] =	vst v63  }
0x40: {  	_ = 	snop  }
0x41: {  	[tilespmem:s10], [sflag:$0x1] =	stream.indirect.gather [hbm4b:s3+s7], $0x80, s31, s7, $0xb8;
	[tilespmem:$0x14E00] =	vst v63  }
0x42: {  	_ = 	snop  }
0x43: {  	[tilespmem:s11], [sflag:$0x1] =	stream.indirect.gather [hbm4b:s3+s7], $0x80, s18, s7, $0xb8;
	[tilespmem:$0x14E00] =	vst v63  }
0x44: {  	_ =	swait.ge [sflag:s6], $0x4000  }
0x45: {  	[sflag:s6] =	ssyncset.done $0x0  }
0x46: {  	[sflag:s6] =	ssyncadd.s32 $0xFFFFC000  }
0x47: {  	_ =	swait.ge [sflag:s6], $0x4000  }
0x48: {  	[sflag:s6] =	ssyncset.done $0x0  }
0x49: {  	[sflag:s6] =	ssyncadd.s32 $0xFFFFC000  }
0x4a: {  	_ =	swait.ge [sflag:s6], $0x4000  }
0x4b: {  	[sflag:s6] =	ssyncset.done $0x0  }
0x4c: {  	[sflag:s6] =	ssyncadd.s32 $0xFFFFC000  }
0x4d: {  	_ =	swait.ge [sflag:s6], $0x4000  }
0x4e: {  	[sflag:s6] =	ssyncset.done $0x0  }
0x4f: {  	[sflag:s6] =	ssyncadd.s32 $0xFFFFC000  }
0x50: {  	_ =	swait.ge [sflag:s6], $0x4000  }
0x51: {  	[sflag:s6] =	ssyncset.done $0x0  }
0x52: {  	s1 =	rddreg [dreg:$0x5];
	[sflag:s6] =	ssyncadd.s32 $0xFFFFC000  }
0x53: {  	[hbm4b:s1+s2] =	stream.linear.scatter [tilespmem:s5], [sflag:$0x2], $0x14000, $0x38;
	[tilespmem:$0x14E00] =	vst v63  }
0x54: {  	_ =	swait.ge [sflag:s4], $0x14000  }
0x55: {  	[sflag:s4] =	ssyncset.done $0x0  }
0x56: {  	[sflag:s4] =	ssyncadd.s32 $0xFFFEC000  }
0x57: {  	[tilespmem:s5], [sflag:$0x1] =	stream.indirect.gather [hbm4b:s3+s7], $0x80, s23, s7, $0xb8;
	[tilespmem:$0x14E00] =	vst v63  }
0x58: {  	_ = 	snop  }
0x59: {  	[tilespmem:s8], [sflag:$0x1] =	stream.indirect.gather [hbm4b:s3+s7], $0x80, s24, s7, $0xb8;
	[tilespmem:$0x14E00] =	vst v63  }
0x5a: {  	_ = 	snop  }
0x5b: {  	[tilespmem:s9], [sflag:$0x1] =	stream.indirect.gather [hbm4b:s3+s7], $0x80, s25, s7, $0xb8;
	[tilespmem:$0x14E00] =	vst v63  }
0x5c: {  	_ = 	snop  }
0x5d: {  	[tilespmem:s10], [sflag:$0x1] =	stream.indirect.gather [hbm4b:s3+s7], $0x80, s26, s7, $0xb8;
	[tilespmem:$0x14E00] =	vst v63  }
0x5e: {  	_ = 	snop  }
0x5f: {  	[tilespmem:s11], [sflag:$0x1] =	stream.indirect.gather [hbm4b:s3+s7], $0x80, s29, s7, $0xb8;
	[tilespmem:$0x14E00] =	vst v63  }
0x60: {  	_ =	swait.ge [sflag:s6], $0x4000  }
0x61: {  	[sflag:s6] =	ssyncset.done $0x0  }
0x62: {  	[sflag:s6] =	ssyncadd.s32 $0xFFFFC000  }
0x63: {  	_ =	swait.ge [sflag:s6], $0x4000  }
0x64: {  	[sflag:s6] =	ssyncset.done $0x0  }
0x65: {  	[sflag:s6] =	ssyncadd.s32 $0xFFFFC000  }
0x66: {  	_ =	swait.ge [sflag:s6], $0x4000  }
0x67: {  	[sflag:s6] =	ssyncset.done $0x0  }
0x68: {  	[sflag:s6] =	ssyncadd.s32 $0xFFFFC000  }
0x69: {  	_ =	swait.ge [sflag:s6], $0x4000  }
0x6a: {  	[sflag:s6] =	ssyncset.done $0x0  }
0x6b: {  	[sflag:s6] =	ssyncadd.s32 $0xFFFFC000  }
0x6c: {  	_ =	swait.ge [sflag:s6], $0x4000  }
0x6d: {  	[sflag:s6] =	ssyncset.done $0x0  }
0x6e: {  	s1 =	rddreg [dreg:$0x6];
	[sflag:s6] =	ssyncadd.s32 $0xFFFFC000  }
0x6f: {  	[hbm4b:s1+s2] =	stream.linear.scatter [tilespmem:s5], [sflag:$0x2], $0x14000, $0x38;
	[tilespmem:$0x14E00] =	vst v63  }
0x70: {  	_ =	swait.ge [sflag:s4], $0x14000  }
0x71: {  	[sflag:s4] =	ssyncset.done $0x0  }
0x72: {  	s1 =	simm.s32 $0x700;
	[sflag:s4] =	ssyncadd.s32 $0xFFFEC000  }
0x73: {  	[tilespmem:s5], [sflag:$0x1] =	stream.indirect.gather [hbm4b:s3+s7], $0x80, s1, s7, $0xb8;
	[tilespmem:$0x14E00] =	vst v63  }
0x74: {  	_ = 	snop  }
0x75: {  	[tilespmem:s8], [sflag:$0x1] =	stream.indirect.gather [hbm4b:s3+s7], $0x80, s19, s7, $0xb8;
	[tilespmem:$0x14E00] =	vst v63  }
0x76: {  	_ = 	snop  }
0x77: {  	[tilespmem:s9], [sflag:$0x1] =	stream.indirect.gather [hbm4b:s3+s7], $0x80, s20, s7, $0xb8;
	[tilespmem:$0x14E00] =	vst v63  }
0x78: {  	_ = 	snop  }
0x79: {  	[tilespmem:s10], [sflag:$0x1] =	stream.indirect.gather [hbm4b:s3+s7], $0x80, s21, s7, $0xb8;
	[tilespmem:$0x14E00] =	vst v63  }
0x7a: {  	_ = 	snop  }
0x7b: {  	[tilespmem:s11], [sflag:$0x1] =	stream.indirect.gather [hbm4b:s3+s7], $0x80, s22, s7, $0xb8;
	[tilespmem:$0x14E00] =	vst v63  }
0x7c: {  	_ =	swait.ge [sflag:s6], $0x4000  }
0x7d: {  	[sflag:s6] =	ssyncset.done $0x0  }
0x7e: {  	[sflag:s6] =	ssyncadd.s32 $0xFFFFC000  }
0x7f: {  	_ =	swait.ge [sflag:s6], $0x4000  }
0x80: {  	[sflag:s6] =	ssyncset.done $0x0  }
0x81: {  	[sflag:s6] =	ssyncadd.s32 $0xFFFFC000  }
0x82: {  	_ =	swait.ge [sflag:s6], $0x4000  }
0x83: {  	[sflag:s6] =	ssyncset.done $0x0  }
0x84: {  	[sflag:s6] =	ssyncadd.s32 $0xFFFFC000  }
0x85: {  	_ =	swait.ge [sflag:s6], $0x4000  }
0x86: {  	[sflag:s6] =	ssyncset.done $0x0  }
0x87: {  	[sflag:s6] =	ssyncadd.s32 $0xFFFFC000  }
0x88: {  	_ =	swait.ge [sflag:s6], $0x4000  }
0x89: {  	[sflag:s6] =	ssyncset.done $0x0  }
0x8a: {  	s1 =	rddreg [dreg:$0x7];
	[sflag:s6] =	ssyncadd.s32 $0xFFFFC000  }
0x8b: {  	[hbm4b:s1+s2] =	stream.linear.scatter [tilespmem:s5], [sflag:$0x2], $0x14000, $0x38;
	[tilespmem:$0x14E00] =	vst v63  }
0x8c: {  	_ =	swait.ge [sflag:s4], $0x14000  }
0x8d: {  	[sflag:s4] =	ssyncset.done $0x0  }
0x8e: {  	[sflag:s4] =	ssyncadd.s32 $0xFFFEC000  }
0x8f: {  	[tilespmem:s5], [sflag:$0x1] =	stream.indirect.gather [hbm4b:s3+s7], $0x80, s13, s7, $0xb8;
	[tilespmem:$0x14E00] =	vst v63  }
0x90: {  	_ = 	snop  }
0x91: {  	[tilespmem:s8], [sflag:$0x1] =	stream.indirect.gather [hbm4b:s3+s7], $0x80, s14, s7, $0xb8;
	[tilespmem:$0x14E00] =	vst v63  }
0x92: {  	_ = 	snop  }
0x93: {  	[tilespmem:s9], [sflag:$0x1] =	stream.indirect.gather [hbm4b:s3+s7], $0x80, s15, s7, $0xb8;
	[tilespmem:$0x14E00] =	vst v63  }
0x94: {  	_ = 	snop  }
0x95: {  	[tilespmem:s10], [sflag:$0x1] =	stream.indirect.gather [hbm4b:s3+s7], $0x80, s16, s7, $0xb8;
	[tilespmem:$0x14E00] =	vst v63  }
0x96: {  	_ = 	snop  }
0x97: {  	[tilespmem:s11], [sflag:$0x1] =	stream.indirect.gather [hbm4b:s3+s7], $0x80, s17, s7, $0xb8;
	[tilespmem:$0x14E00] =	vst v63  }
0x98: {  	_ =	swait.ge [sflag:s6], $0x4000  }
0x99: {  	[sflag:s6] =	ssyncset.done $0x0  }
0x9a: {  	[sflag:s6] =	ssyncadd.s32 $0xFFFFC000  }
0x9b: {  	_ =	swait.ge [sflag:s6], $0x4000  }
0x9c: {  	[sflag:s6] =	ssyncset.done $0x0  }
0x9d: {  	[sflag:s6] =	ssyncadd.s32 $0xFFFFC000  }
0x9e: {  	_ =	swait.ge [sflag:s6], $0x4000  }
0x9f: {  	[sflag:s6] =	ssyncset.done $0x0  }
0xa0: {  	[sflag:s6] =	ssyncadd.s32 $0xFFFFC000  }
0xa1: {  	_ =	swait.ge [sflag:s6], $0x4000  }
0xa2: {  	[sflag:s6] =	ssyncset.done $0x0  }
0xa3: {  	[sflag:s6] =	ssyncadd.s32 $0xFFFFC000  }
0xa4: {  	p1 =	sne.s32 s12, $0x1;
	_ =	swait.ge [sflag:s6], $0x4000  }
.Ltmp1:
0xa5: {  	[sflag:s6] =	ssyncset.done $0x0;
	(pc) =	sbr.rel @!p1 .LBB2_3-.Ltmp1, $4  }
0xa6: {  	s1 =	rddreg [dreg:$0x8];
	[sflag:s6] =	ssyncadd.s32 $0xFFFFC000  }
0xa7: {  	[hbm4b:s1+s2] =	stream.linear.scatter [tilespmem:s5], [sflag:$0x2], $0x14000, $0x38;
	[tilespmem:$0x14E00] =	vst v63  }
0xa8: {  	p0 =	por $0x1, $0x1;
	_ =	swait.ge [sflag:s4], $0x14000  }
0xa9: {  	s0 =	sadd.s32 $0xFFFFFFFF, s12;
	s1 =	rddreg [dreg:$0x2];
	[sflag:s4] =	ssyncset.done $0x0  }
.LBB2_4:
0xaa: {  	[sflag:s4] =	ssyncadd.s32 $0xFFFEC000  }
0xab: {  	[tilespmem:s2], [sflag:$0x2] =	stream.linear.gather [hbm4b:s1+s2], $0x200, $0x38;
	[tilespmem:$0x14E00] =	vst v63  }
0xac: {  	_ =	swait.ge [sflag:s4], $0x200  }
0xad: {  	[sflag:s4] =	ssyncset.done $0x0  }
0xae: {  	[sflag:s4] =	ssyncadd.s32 $0xFFFFFE00  }
0xaf: {  	[tilespmem:s5], [sflag:$0x1] =	stream.indirect.gather [hbm4b:s3+s7], $0x80, s2, s7, $0xb8;
	[tilespmem:$0x14E00] =	vst v63  }
0xb0: {  	_ = 	snop  }
0xb1: {  	[tilespmem:s8], [sflag:$0x1] =	stream.indirect.gather [hbm4b:s3+s7], $0x80, s7, s7, $0xb8;
	[tilespmem:$0x14E00] =	vst v63  }
0xb2: {  	s1 =	rddreg [dreg:$0x9]  }
0xb3: {  	[tilespmem:s9], [sflag:$0x1] =	stream.indirect.gather [hbm4b:s3+s7], $0x80, s1, s7, $0xb8;
	[tilespmem:$0x14E00] =	vst v63  }
0xb4: {  	s12 =	rddreg [dreg:$0xa]  }
0xb5: {  	[tilespmem:s10], [sflag:$0x1] =	stream.indirect.gather [hbm4b:s3+s7], $0x80, s12, s7, $0xb8;
	[tilespmem:$0x14E00] =	vst v63  }
0xb6: {  	_ =	swait.ge [sflag:s6], $0x4000  }
0xb7: {  	[sflag:s6] =	ssyncset.done $0x0  }
0xb8: {  	[sflag:s6] =	ssyncadd.s32 $0xFFFFC000  }
0xb9: {  	_ =	swait.ge [sflag:s6], $0x4000  }
0xba: {  	[sflag:s6] =	ssyncset.done $0x0  }
0xbb: {  	[sflag:s6] =	ssyncadd.s32 $0xFFFFC000  }
0xbc: {  	_ =	swait.ge [sflag:s6], $0x4000  }
0xbd: {  	[sflag:s6] =	ssyncset.done $0x0  }
0xbe: {  	[sflag:s6] =	ssyncadd.s32 $0xFFFFC000  }
0xbf: {  	_ =	swait.ge [sflag:s6], $0x4000  }
0xc0: {  	[sflag:s6] =	ssyncset.done $0x0  }
0xc1: {  	s12 =	rddreg [dreg:$0x3];
	[sflag:s6] =	ssyncadd.s32 $0xFFFFC000  }
0xc2: {  	[hbm4b:s12+s2] =	stream.linear.scatter [tilespmem:s5], [sflag:$0x2], $0x10000, $0x38;
	[tilespmem:$0x14E00] =	vst v63  }
0xc3: {  	_ =	swait.ge [sflag:s4], $0x10000  }
0xc4: {  	[sflag:s4] =	ssyncset.done $0x0  }
0xc5: {  	s12 =	rddreg [dreg:$0x4];
	[sflag:s4] =	ssyncadd.s32 $0xFFFF0000  }
0xc6: {  	[tilespmem:s28], [sflag:$0x2] =	stream.linear.gather [hbm4b:s12+s2], $0xA00, $0x38;
	[tilespmem:$0x14E00] =	vst v63  }
0xc7: {  	_ =	swait.ge [sflag:s4], $0xA00  }
0xc8: {  	[sflag:s4] =	ssyncset.done $0x0  }
0xc9: {  	[sflag:s4] =	ssyncadd.s32 $0xFFFFF600  }
0xca: {  	[tilespmem:s5], [sflag:$0x1] =	stream.indirect.gather [hbm4b:s3+s7], $0x80, s28, s7, $0xb8;
	[tilespmem:$0x14E00] =	vst v63  }
0xcb: {  	s12 =	rddreg [dreg:$0xb]  }
0xcc: {  	[tilespmem:s8], [sflag:$0x1] =	stream.indirect.gather [hbm4b:s3+s7], $0x80, s12, s7, $0xb8;
	[tilespmem:$0x14E00] =	vst v63  }
0xcd: {  	_ = 	snop  }
0xce: {  	[tilespmem:s9], [sflag:$0x1] =	stream.indirect.gather [hbm4b:s3+s7], $0x80, s30, s7, $0xb8;
	[tilespmem:$0x14E00] =	vst v63  }
0xcf: {  	_ = 	snop  }
0xd0: {  	[tilespmem:s10], [sflag:$0x1] =	stream.indirect.gather [hbm4b:s3+s7], $0x80, s31, s7, $0xb8;
	[tilespmem:$0x14E00] =	vst v63  }
0xd1: {  	_ = 	snop  }
0xd2: {  	[tilespmem:s11], [sflag:$0x1] =	stream.indirect.gather [hbm4b:s3+s7], $0x80, s18, s7, $0xb8;
	[tilespmem:$0x14E00] =	vst v63  }
0xd3: {  	_ =	swait.ge [sflag:s6], $0x4000  }
0xd4: {  	[sflag:s6] =	ssyncset.done $0x0  }
0xd5: {  	[sflag:s6] =	ssyncadd.s32 $0xFFFFC000  }
0xd6: {  	_ =	swait.ge [sflag:s6], $0x4000  }
0xd7: {  	[sflag:s6] =	ssyncset.done $0x0  }
0xd8: {  	[sflag:s6] =	ssyncadd.s32 $0xFFFFC000  }
0xd9: {  	_ =	swait.ge [sflag:s6], $0x4000  }
0xda: {  	[sflag:s6] =	ssyncset.done $0x0  }
0xdb: {  	[sflag:s6] =	ssyncadd.s32 $0xFFFFC000  }
0xdc: {  	_ =	swait.ge [sflag:s6], $0x4000  }
0xdd: {  	[sflag:s6] =	ssyncset.done $0x0  }
0xde: {  	[sflag:s6] =	ssyncadd.s32 $0xFFFFC000  }
0xdf: {  	_ =	swait.ge [sflag:s6], $0x4000  }
0xe0: {  	[sflag:s6] =	ssyncset.done $0x0  }
0xe1: {  	s12 =	rddreg [dreg:$0x5];
	[sflag:s6] =	ssyncadd.s32 $0xFFFFC000  }
0xe2: {  	[hbm4b:s12+s2] =	stream.linear.scatter [tilespmem:s5], [sflag:$0x2], $0x14000, $0x38;
	[tilespmem:$0x14E00] =	vst v63  }
0xe3: {  	_ =	swait.ge [sflag:s4], $0x14000  }
0xe4: {  	[sflag:s4] =	ssyncset.done $0x0  }
0xe5: {  	[sflag:s4] =	ssyncadd.s32 $0xFFFEC000  }
0xe6: {  	[tilespmem:s5], [sflag:$0x1] =	stream.indirect.gather [hbm4b:s3+s7], $0x80, s23, s7, $0xb8;
	[tilespmem:$0x14E00] =	vst v63  }
0xe7: {  	_ = 	snop  }
0xe8: {  	[tilespmem:s8], [sflag:$0x1] =	stream.indirect.gather [hbm4b:s3+s7], $0x80, s24, s7, $0xb8;
	[tilespmem:$0x14E00] =	vst v63  }
0xe9: {  	_ = 	snop  }
0xea: {  	[tilespmem:s9], [sflag:$0x1] =	stream.indirect.gather [hbm4b:s3+s7], $0x80, s25, s7, $0xb8;
	[tilespmem:$0x14E00] =	vst v63  }
0xeb: {  	_ = 	snop  }
0xec: {  	[tilespmem:s10], [sflag:$0x1] =	stream.indirect.gather [hbm4b:s3+s7], $0x80, s26, s7, $0xb8;
	[tilespmem:$0x14E00] =	vst v63  }
0xed: {  	_ = 	snop  }
0xee: {  	[tilespmem:s11], [sflag:$0x1] =	stream.indirect.gather [hbm4b:s3+s7], $0x80, s29, s7, $0xb8;
	[tilespmem:$0x14E00] =	vst v63  }
0xef: {  	_ =	swait.ge [sflag:s6], $0x4000  }
0xf0: {  	[sflag:s6] =	ssyncset.done $0x0  }
0xf1: {  	[sflag:s6] =	ssyncadd.s32 $0xFFFFC000  }
0xf2: {  	_ =	swait.ge [sflag:s6], $0x4000  }
0xf3: {  	[sflag:s6] =	ssyncset.done $0x0  }
0xf4: {  	[sflag:s6] =	ssyncadd.s32 $0xFFFFC000  }
0xf5: {  	_ =	swait.ge [sflag:s6], $0x4000  }
0xf6: {  	[sflag:s6] =	ssyncset.done $0x0  }
0xf7: {  	[sflag:s6] =	ssyncadd.s32 $0xFFFFC000  }
0xf8: {  	_ =	swait.ge [sflag:s6], $0x4000  }
0xf9: {  	[sflag:s6] =	ssyncset.done $0x0  }
0xfa: {  	[sflag:s6] =	ssyncadd.s32 $0xFFFFC000  }
0xfb: {  	_ =	swait.ge [sflag:s6], $0x4000  }
0xfc: {  	[sflag:s6] =	ssyncset.done $0x0  }
0xfd: {  	s12 =	rddreg [dreg:$0x6];
	[sflag:s6] =	ssyncadd.s32 $0xFFFFC000  }
0xfe: {  	[hbm4b:s12+s2] =	stream.linear.scatter [tilespmem:s5], [sflag:$0x2], $0x14000, $0x38;
	[tilespmem:$0x14E00] =	vst v63  }
0xff: {  	_ =	swait.ge [sflag:s4], $0x14000  }
0x100: {  	[sflag:s4] =	ssyncset.done $0x0  }
0x101: {  	s12 =	simm.s32 $0x700;
	[sflag:s4] =	ssyncadd.s32 $0xFFFEC000  }
0x102: {  	[tilespmem:s5], [sflag:$0x1] =	stream.indirect.gather [hbm4b:s3+s7], $0x80, s12, s7, $0xb8;
	[tilespmem:$0x14E00] =	vst v63  }
0x103: {  	_ = 	snop  }
0x104: {  	[tilespmem:s8], [sflag:$0x1] =	stream.indirect.gather [hbm4b:s3+s7], $0x80, s19, s7, $0xb8;
	[tilespmem:$0x14E00] =	vst v63  }
0x105: {  	_ = 	snop  }
0x106: {  	[tilespmem:s9], [sflag:$0x1] =	stream.indirect.gather [hbm4b:s3+s7], $0x80, s20, s7, $0xb8;
	[tilespmem:$0x14E00] =	vst v63  }
0x107: {  	_ = 	snop  }
0x108: {  	[tilespmem:s10], [sflag:$0x1] =	stream.indirect.gather [hbm4b:s3+s7], $0x80, s21, s7, $0xb8;
	[tilespmem:$0x14E00] =	vst v63  }
0x109: {  	_ = 	snop  }
0x10a: {  	[tilespmem:s11], [sflag:$0x1] =	stream.indirect.gather [hbm4b:s3+s7], $0x80, s22, s7, $0xb8;
	[tilespmem:$0x14E00] =	vst v63  }
0x10b: {  	_ =	swait.ge [sflag:s6], $0x4000  }
0x10c: {  	[sflag:s6] =	ssyncset.done $0x0  }
0x10d: {  	[sflag:s6] =	ssyncadd.s32 $0xFFFFC000  }
0x10e: {  	_ =	swait.ge [sflag:s6], $0x4000  }
0x10f: {  	[sflag:s6] =	ssyncset.done $0x0  }
0x110: {  	[sflag:s6] =	ssyncadd.s32 $0xFFFFC000  }
0x111: {  	_ =	swait.ge [sflag:s6], $0x4000  }
0x112: {  	[sflag:s6] =	ssyncset.done $0x0  }
0x113: {  	[sflag:s6] =	ssyncadd.s32 $0xFFFFC000  }
0x114: {  	_ =	swait.ge [sflag:s6], $0x4000  }
0x115: {  	[sflag:s6] =	ssyncset.done $0x0  }
0x116: {  	[sflag:s6] =	ssyncadd.s32 $0xFFFFC000  }
0x117: {  	_ =	swait.ge [sflag:s6], $0x4000  }
0x118: {  	[sflag:s6] =	ssyncset.done $0x0  }
0x119: {  	s12 =	rddreg [dreg:$0x7];
	[sflag:s6] =	ssyncadd.s32 $0xFFFFC000  }
0x11a: {  	[hbm4b:s12+s2] =	stream.linear.scatter [tilespmem:s5], [sflag:$0x2], $0x14000, $0x38;
	[tilespmem:$0x14E00] =	vst v63  }
0x11b: {  	_ =	swait.ge [sflag:s4], $0x14000  }
0x11c: {  	[sflag:s4] =	ssyncset.done $0x0  }
0x11d: {  	[sflag:s4] =	ssyncadd.s32 $0xFFFEC000  }
0x11e: {  	[tilespmem:s5], [sflag:$0x1] =	stream.indirect.gather [hbm4b:s3+s7], $0x80, s13, s7, $0xb8;
	[tilespmem:$0x14E00] =	vst v63  }
0x11f: {  	_ = 	snop  }
0x120: {  	[tilespmem:s8], [sflag:$0x1] =	stream.indirect.gather [hbm4b:s3+s7], $0x80, s14, s7, $0xb8;
	[tilespmem:$0x14E00] =	vst v63  }
0x121: {  	_ = 	snop  }
0x122: {  	[tilespmem:s9], [sflag:$0x1] =	stream.indirect.gather [hbm4b:s3+s7], $0x80, s15, s7, $0xb8;
	[tilespmem:$0x14E00] =	vst v63  }
0x123: {  	_ = 	snop  }
0x124: {  	[tilespmem:s10], [sflag:$0x1] =	stream.indirect.gather [hbm4b:s3+s7], $0x80, s16, s7, $0xb8;
	[tilespmem:$0x14E00] =	vst v63  }
0x125: {  	_ = 	snop  }
0x126: {  	[tilespmem:s11], [sflag:$0x1] =	stream.indirect.gather [hbm4b:s3+s7], $0x80, s17, s7, $0xb8;
	[tilespmem:$0x14E00] =	vst v63  }
0x127: {  	_ =	swait.ge [sflag:s6], $0x4000  }
0x128: {  	[sflag:s6] =	ssyncset.done $0x0  }
0x129: {  	[sflag:s6] =	ssyncadd.s32 $0xFFFFC000  }
0x12a: {  	_ =	swait.ge [sflag:s6], $0x4000  }
0x12b: {  	[sflag:s6] =	ssyncset.done $0x0  }
0x12c: {  	[sflag:s6] =	ssyncadd.s32 $0xFFFFC000  }
0x12d: {  	_ =	swait.ge [sflag:s6], $0x4000  }
0x12e: {  	[sflag:s6] =	ssyncset.done $0x0  }
0x12f: {  	[sflag:s6] =	ssyncadd.s32 $0xFFFFC000  }
0x130: {  	_ =	swait.ge [sflag:s6], $0x4000  }
0x131: {  	[sflag:s6] =	ssyncset.done $0x0  }
0x132: {  	[sflag:s6] =	ssyncadd.s32 $0xFFFFC000  }
0x133: {  	p1 =	sne.s32 s0, $0x1;
	_ =	swait.ge [sflag:s6], $0x4000  }
.Ltmp2:
0x134: {  	[sflag:s6] =	ssyncset.done $0x0;
	(pc) =	sbr.rel @p1 .LBB2_4-.Ltmp2, $4  }
0x135: {  	s12 =	rddreg [dreg:$0x8];
	[sflag:s6] =	ssyncadd.s32 $0xFFFFC000  }
0x136: {  	[hbm4b:s12+s2] =	stream.linear.scatter [tilespmem:s5], [sflag:$0x2], $0x14000, $0x38;
	[tilespmem:$0x14E00] =	vst v63  }
0x137: {  	_ =	swait.ge [sflag:s4], $0x14000  }
0x138: {  	s0 =	sadd.s32 $0xFFFFFFFF, s0;
	s1 =	rddreg [dreg:$0x2];
	[sflag:s4] =	ssyncset.done $0x0  }
0x139: {  	s17 =	simm.s32 $0x400;
	s31 =	simm.s32 $0x380;
	s30 =	simm.s32 $0x300  }
0x13a: {  	s29 =	simm.s32 $0x680;
	s26 =	simm.s32 $0x600;
	s25 =	simm.s32 $0x580  }
0x13b: {  	s24 =	simm.s32 $0x500;
	s23 =	simm.s32 $0x480;
	s22 =	simm.s32 $0x900  }
0x13c: {  	s21 =	simm.s32 $0x880;
	s20 =	simm.s32 $0x800;
	s19 =	simm.s32 $0x780  }
0x13d: {  	s18 =	simm.s32 $0x700;
	s16 =	simm.s32 $0xB00;
	s15 =	simm.s32 $0xA80  }
0x13e: {  	s14 =	simm.s32 $0xA00;
	s13 =	simm.s32 $0x980;
	s12 =	rddreg [dreg:$0x1]  }
.LBB2_6:
0x13f: {  	[sflag:s4] =	ssyncadd.s32 @p0 $0xFFFEC000  }
0x140: {  	[tilespmem:s2], [sflag:$0x2] =	stream.linear.gather [hbm4b:s1+s2], $0x200, $0x38;
	[tilespmem:$0x14E00] =	vst v63  }
0x141: {  	_ =	swait.ge [sflag:s4], $0x200  }
0x142: {  	[sflag:s4] =	ssyncset.done $0x0  }
0x143: {  	[sflag:s4] =	ssyncadd.s32 $0xFFFFFE00  }
0x144: {  	[tilespmem:s5], [sflag:$0x1] =	stream.indirect.gather [hbm4b:s3+s7], $0x80, s2, s7, $0xb8;
	[tilespmem:$0x14E00] =	vst v63  }
0x145: {  	_ = 	snop  }
0x146: {  	[tilespmem:s8], [sflag:$0x1] =	stream.indirect.gather [hbm4b:s3+s7], $0x80, s7, s7, $0xb8;
	[tilespmem:$0x14E00] =	vst v63  }
0x147: {  	s0 =	rddreg [dreg:$0x9]  }
0x148: {  	[tilespmem:s9], [sflag:$0x1] =	stream.indirect.gather [hbm4b:s3+s7], $0x80, s0, s7, $0xb8;
	[tilespmem:$0x14E00] =	vst v63  }
0x149: {  	s1 =	rddreg [dreg:$0xa]  }
0x14a: {  	[tilespmem:s10], [sflag:$0x1] =	stream.indirect.gather [hbm4b:s3+s7], $0x80, s1, s7, $0xb8;
	[tilespmem:$0x14E00] =	vst v63  }
0x14b: {  	_ =	swait.ge [sflag:s6], $0x4000  }
0x14c: {  	[sflag:s6] =	ssyncset.done $0x0  }
0x14d: {  	[sflag:s6] =	ssyncadd.s32 $0xFFFFC000  }
0x14e: {  	_ =	swait.ge [sflag:s6], $0x4000  }
0x14f: {  	[sflag:s6] =	ssyncset.done $0x0  }
0x150: {  	[sflag:s6] =	ssyncadd.s32 $0xFFFFC000  }
0x151: {  	_ =	swait.ge [sflag:s6], $0x4000  }
0x152: {  	[sflag:s6] =	ssyncset.done $0x0  }
0x153: {  	[sflag:s6] =	ssyncadd.s32 $0xFFFFC000  }
0x154: {  	_ =	swait.ge [sflag:s6], $0x4000  }
0x155: {  	[sflag:s6] =	ssyncset.done $0x0  }
0x156: {  	s1 =	rddreg [dreg:$0x3];
	[sflag:s6] =	ssyncadd.s32 $0xFFFFC000  }
0x157: {  	[hbm4b:s1+s2] =	stream.linear.scatter [tilespmem:s5], [sflag:$0x2], $0x10000, $0x38;
	[tilespmem:$0x14E00] =	vst v63  }
0x158: {  	_ =	swait.ge [sflag:s4], $0x10000  }
0x159: {  	[sflag:s4] =	ssyncset.done $0x0  }
0x15a: {  	s1 =	rddreg [dreg:$0x4];
	[sflag:s4] =	ssyncadd.s32 $0xFFFF0000  }
0x15b: {  	[tilespmem:s28], [sflag:$0x2] =	stream.linear.gather [hbm4b:s1+s2], $0xA00, $0x38;
	[tilespmem:$0x14E00] =	vst v63  }
0x15c: {  	_ =	swait.ge [sflag:s4], $0xA00  }
0x15d: {  	[sflag:s4] =	ssyncset.done $0x0  }
0x15e: {  	[sflag:s4] =	ssyncadd.s32 $0xFFFFF600  }
0x15f: {  	[tilespmem:s5], [sflag:$0x1] =	stream.indirect.gather [hbm4b:s3+s7], $0x80, s28, s7, $0xb8;
	[tilespmem:$0x14E00] =	vst v63  }
0x160: {  	s1 =	rddreg [dreg:$0xb]  }
0x161: {  	[tilespmem:s8], [sflag:$0x1] =	stream.indirect.gather [hbm4b:s3+s7], $0x80, s1, s7, $0xb8;
	[tilespmem:$0x14E00] =	vst v63  }
0x162: {  	_ = 	snop  }
0x163: {  	[tilespmem:s9], [sflag:$0x1] =	stream.indirect.gather [hbm4b:s3+s7], $0x80, s30, s7, $0xb8;
	[tilespmem:$0x14E00] =	vst v63  }
0x164: {  	_ = 	snop  }
0x165: {  	[tilespmem:s10], [sflag:$0x1] =	stream.indirect.gather [hbm4b:s3+s7], $0x80, s31, s7, $0xb8;
	[tilespmem:$0x14E00] =	vst v63  }
0x166: {  	_ = 	snop  }
0x167: {  	[tilespmem:s11], [sflag:$0x1] =	stream.indirect.gather [hbm4b:s3+s7], $0x80, s17, s7, $0xb8;
	[tilespmem:$0x14E00] =	vst v63  }
0x168: {  	_ =	swait.ge [sflag:s6], $0x4000  }
0x169: {  	[sflag:s6] =	ssyncset.done $0x0  }
0x16a: {  	[sflag:s6] =	ssyncadd.s32 $0xFFFFC000  }
0x16b: {  	_ =	swait.ge [sflag:s6], $0x4000  }
0x16c: {  	[sflag:s6] =	ssyncset.done $0x0  }
0x16d: {  	[sflag:s6] =	ssyncadd.s32 $0xFFFFC000  }
0x16e: {  	_ =	swait.ge [sflag:s6], $0x4000  }
0x16f: {  	[sflag:s6] =	ssyncset.done $0x0  }
0x170: {  	[sflag:s6] =	ssyncadd.s32 $0xFFFFC000  }
0x171: {  	_ =	swait.ge [sflag:s6], $0x4000  }
0x172: {  	[sflag:s6] =	ssyncset.done $0x0  }
0x173: {  	[sflag:s6] =	ssyncadd.s32 $0xFFFFC000  }
0x174: {  	_ =	swait.ge [sflag:s6], $0x4000  }
0x175: {  	[sflag:s6] =	ssyncset.done $0x0  }
0x176: {  	s17 =	rddreg [dreg:$0x5];
	[sflag:s6] =	ssyncadd.s32 $0xFFFFC000  }
0x177: {  	[hbm4b:s17+s2] =	stream.linear.scatter [tilespmem:s5], [sflag:$0x2], $0x14000, $0x38;
	[tilespmem:$0x14E00] =	vst v63  }
0x178: {  	_ =	swait.ge [sflag:s4], $0x14000  }
0x179: {  	[sflag:s4] =	ssyncset.done $0x0  }
0x17a: {  	[sflag:s4] =	ssyncadd.s32 $0xFFFEC000  }
0x17b: {  	[tilespmem:s5], [sflag:$0x1] =	stream.indirect.gather [hbm4b:s3+s7], $0x80, s23, s7, $0xb8;
	[tilespmem:$0x14E00] =	vst v63  }
0x17c: {  	_ = 	snop  }
0x17d: {  	[tilespmem:s8], [sflag:$0x1] =	stream.indirect.gather [hbm4b:s3+s7], $0x80, s24, s7, $0xb8;
	[tilespmem:$0x14E00] =	vst v63  }
0x17e: {  	_ = 	snop  }
0x17f: {  	[tilespmem:s9], [sflag:$0x1] =	stream.indirect.gather [hbm4b:s3+s7], $0x80, s25, s7, $0xb8;
	[tilespmem:$0x14E00] =	vst v63  }
0x180: {  	_ = 	snop  }
0x181: {  	[tilespmem:s10], [sflag:$0x1] =	stream.indirect.gather [hbm4b:s3+s7], $0x80, s26, s7, $0xb8;
	[tilespmem:$0x14E00] =	vst v63  }
0x182: {  	_ = 	snop  }
0x183: {  	[tilespmem:s11], [sflag:$0x1] =	stream.indirect.gather [hbm4b:s3+s7], $0x80, s29, s7, $0xb8;
	[tilespmem:$0x14E00] =	vst v63  }
0x184: {  	_ =	swait.ge [sflag:s6], $0x4000  }
0x185: {  	[sflag:s6] =	ssyncset.done $0x0  }
0x186: {  	[sflag:s6] =	ssyncadd.s32 $0xFFFFC000  }
0x187: {  	_ =	swait.ge [sflag:s6], $0x4000  }
0x188: {  	[sflag:s6] =	ssyncset.done $0x0  }
0x189: {  	[sflag:s6] =	ssyncadd.s32 $0xFFFFC000  }
0x18a: {  	_ =	swait.ge [sflag:s6], $0x4000  }
0x18b: {  	[sflag:s6] =	ssyncset.done $0x0  }
0x18c: {  	[sflag:s6] =	ssyncadd.s32 $0xFFFFC000  }
0x18d: {  	_ =	swait.ge [sflag:s6], $0x4000  }
0x18e: {  	[sflag:s6] =	ssyncset.done $0x0  }
0x18f: {  	[sflag:s6] =	ssyncadd.s32 $0xFFFFC000  }
0x190: {  	_ =	swait.ge [sflag:s6], $0x4000  }
0x191: {  	[sflag:s6] =	ssyncset.done $0x0  }
0x192: {  	s26 =	rddreg [dreg:$0x6];
	[sflag:s6] =	ssyncadd.s32 $0xFFFFC000  }
0x193: {  	[hbm4b:s26+s2] =	stream.linear.scatter [tilespmem:s5], [sflag:$0x2], $0x14000, $0x38;
	[tilespmem:$0x14E00] =	vst v63  }
0x194: {  	_ =	swait.ge [sflag:s4], $0x14000  }
0x195: {  	[sflag:s4] =	ssyncset.done $0x0  }
0x196: {  	[sflag:s4] =	ssyncadd.s32 $0xFFFEC000  }
0x197: {  	[tilespmem:s5], [sflag:$0x1] =	stream.indirect.gather [hbm4b:s3+s7], $0x80, s18, s7, $0xb8;
	[tilespmem:$0x14E00] =	vst v63  }
0x198: {  	_ = 	snop  }
0x199: {  	[tilespmem:s8], [sflag:$0x1] =	stream.indirect.gather [hbm4b:s3+s7], $0x80, s19, s7, $0xb8;
	[tilespmem:$0x14E00] =	vst v63  }
0x19a: {  	_ = 	snop  }
0x19b: {  	[tilespmem:s9], [sflag:$0x1] =	stream.indirect.gather [hbm4b:s3+s7], $0x80, s20, s7, $0xb8;
	[tilespmem:$0x14E00] =	vst v63  }
0x19c: {  	_ = 	snop  }
0x19d: {  	[tilespmem:s10], [sflag:$0x1] =	stream.indirect.gather [hbm4b:s3+s7], $0x80, s21, s7, $0xb8;
	[tilespmem:$0x14E00] =	vst v63  }
0x19e: {  	_ = 	snop  }
0x19f: {  	[tilespmem:s11], [sflag:$0x1] =	stream.indirect.gather [hbm4b:s3+s7], $0x80, s22, s7, $0xb8;
	[tilespmem:$0x14E00] =	vst v63  }
0x1a0: {  	_ =	swait.ge [sflag:s6], $0x4000  }
0x1a1: {  	[sflag:s6] =	ssyncset.done $0x0  }
0x1a2: {  	[sflag:s6] =	ssyncadd.s32 $0xFFFFC000  }
0x1a3: {  	_ =	swait.ge [sflag:s6], $0x4000  }
0x1a4: {  	[sflag:s6] =	ssyncset.done $0x0  }
0x1a5: {  	[sflag:s6] =	ssyncadd.s32 $0xFFFFC000  }
0x1a6: {  	_ =	swait.ge [sflag:s6], $0x4000  }
0x1a7: {  	[sflag:s6] =	ssyncset.done $0x0  }
0x1a8: {  	[sflag:s6] =	ssyncadd.s32 $0xFFFFC000  }
0x1a9: {  	_ =	swait.ge [sflag:s6], $0x4000  }
0x1aa: {  	[sflag:s6] =	ssyncset.done $0x0  }
0x1ab: {  	[sflag:s6] =	ssyncadd.s32 $0xFFFFC000  }
0x1ac: {  	_ =	swait.ge [sflag:s6], $0x4000  }
0x1ad: {  	[sflag:s6] =	ssyncset.done $0x0  }
0x1ae: {  	s28 =	rddreg [dreg:$0x7];
	[sflag:s6] =	ssyncadd.s32 $0xFFFFC000  }
0x1af: {  	[hbm4b:s28+s2] =	stream.linear.scatter [tilespmem:s5], [sflag:$0x2], $0x14000, $0x38;
	[tilespmem:$0x14E00] =	vst v63  }
0x1b0: {  	_ =	swait.ge [sflag:s4], $0x14000  }
0x1b1: {  	[sflag:s4] =	ssyncset.done $0x0  }
0x1b2: {  	[sflag:s4] =	ssyncadd.s32 $0xFFFEC000  }
0x1b3: {  	[tilespmem:s5], [sflag:$0x1] =	stream.indirect.gather [hbm4b:s3+s7], $0x80, s13, s7, $0xb8;
	[tilespmem:$0x14E00] =	vst v63  }
0x1b4: {  	_ = 	snop  }
0x1b5: {  	[tilespmem:s8], [sflag:$0x1] =	stream.indirect.gather [hbm4b:s3+s7], $0x80, s14, s7, $0xb8;
	[tilespmem:$0x14E00] =	vst v63  }
0x1b6: {  	_ = 	snop  }
0x1b7: {  	[tilespmem:s9], [sflag:$0x1] =	stream.indirect.gather [hbm4b:s3+s7], $0x80, s15, s7, $0xb8;
	[tilespmem:$0x14E00] =	vst v63  }
0x1b8: {  	_ = 	snop  }
0x1b9: {  	[tilespmem:s10], [sflag:$0x1] =	stream.indirect.gather [hbm4b:s3+s7], $0x80, s16, s7, $0xb8;
	[tilespmem:$0x14E00] =	vst v63  }
0x1ba: {  	s29 =	simm.s32 $0xB80  }
0x1bb: {  	[tilespmem:s11], [sflag:$0x1] =	stream.indirect.gather [hbm4b:s3+s7], $0x80, s29, s7, $0xb8;
	[tilespmem:$0x14E00] =	vst v63  }
0x1bc: {  	_ =	swait.ge [sflag:s6], $0x4000  }
0x1bd: {  	[sflag:s6] =	ssyncset.done $0x0  }
0x1be: {  	[sflag:s6] =	ssyncadd.s32 $0xFFFFC000  }
0x1bf: {  	_ =	swait.ge [sflag:s6], $0x4000  }
0x1c0: {  	[sflag:s6] =	ssyncset.done $0x0  }
0x1c1: {  	[sflag:s6] =	ssyncadd.s32 $0xFFFFC000  }
0x1c2: {  	_ =	swait.ge [sflag:s6], $0x4000  }
0x1c3: {  	[sflag:s6] =	ssyncset.done $0x0  }
0x1c4: {  	[sflag:s6] =	ssyncadd.s32 $0xFFFFC000  }
0x1c5: {  	_ =	swait.ge [sflag:s6], $0x4000  }
0x1c6: {  	[sflag:s6] =	ssyncset.done $0x0  }
0x1c7: {  	[sflag:s6] =	ssyncadd.s32 $0xFFFFC000  }
0x1c8: {  	_ =	swait.ge [sflag:s6], $0x4000  }
0x1c9: {  	[sflag:s6] =	ssyncset.done $0x0  }
0x1ca: {  	s30 =	rddreg [dreg:$0x8];
	[sflag:s6] =	ssyncadd.s32 $0xFFFFC000  }
0x1cb: {  	[hbm4b:s30+s2] =	stream.linear.scatter [tilespmem:s5], [sflag:$0x2], $0x14000, $0x38;
	[tilespmem:$0x14E00] =	vst v63  }
0x1cc: {  	_ =	swait.ge [sflag:s4], $0x14000  }
0x1cd: {  	[sflag:s4] =	ssyncset.done $0x0  }
0x1ce: {  	[sflag:s4] =	ssyncadd.s32 $0xFFFEC000  }
0x1cf: {  	_ =	sfence.sel $0x180000  }
0x1d0: {  	s31 =	stileid.u32;
	[bflag:$0x0] =	sbarrier.arrive $0xFFFF  }
0x1d1: {  	p0 =	sne.s32 s31, $0x0;
	_ =	strace $0x90000047  }
0x1d2: {  	s0 =	sadd.s32 @!p0 $0x100000, s12;
	[bflag:$0x2] =	sbarrier.arrive $0xFFFF  }
0x1d3: {  	[sflag:s0] =	ssyncadd.tile.s32 @!p0 $0x1;
	_ =	shalt  }
.LBB2_1:
0x1d4: {  	s17 =	simm.s32 $0x400;
	s31 =	simm.s32 $0x380;
	s30 =	simm.s32 $0x300  }
.Ltmp3:
0x1d5: {  	s29 =	simm.s32 $0x680;
	s26 =	simm.s32 $0x600;
	(pc) =	sbr.rel .LBB2_6-.Ltmp3, $4  }
0x1d6: {  	s25 =	simm.s32 $0x580;
	s24 =	simm.s32 $0x500;
	s23 =	simm.s32 $0x480  }
0x1d7: {  	s22 =	simm.s32 $0x900;
	s21 =	simm.s32 $0x880;
	s20 =	simm.s32 $0x800  }
0x1d8: {  	s19 =	simm.s32 $0x780;
	s18 =	simm.s32 $0x700;
	s16 =	simm.s32 $0xB00  }
0x1d9: {  	s15 =	simm.s32 $0xA80;
	s14 =	simm.s32 $0xA00;
	s13 =	simm.s32 $0x980  }
.LBB2_3:
0x1da: {  	s17 =	simm.s32 $0x400  }
0x1db: {  	s31 =	simm.s32 $0x380;
	s30 =	simm.s32 $0x300;
	s29 =	simm.s32 $0x680  }
.Ltmp4:
0x1dc: {  	s26 =	simm.s32 $0x600;
	s25 =	simm.s32 $0x580;
	(pc) =	sbr.rel .LBB2_6-.Ltmp4, $4  }
0x1dd: {  	s24 =	simm.s32 $0x500;
	s23 =	simm.s32 $0x480;
	s22 =	simm.s32 $0x900  }
0x1de: {  	s21 =	simm.s32 $0x880;
	s20 =	simm.s32 $0x800;
	s19 =	simm.s32 $0x780  }
0x1df: {  	s18 =	simm.s32 $0x700;
	s16 =	simm.s32 $0xB00;
	s15 =	simm.s32 $0xA80  }
0x1e0: {  	s14 =	simm.s32 $0xA00;
	s13 =	simm.s32 $0x980;
	s12 =	rddreg [dreg:$0x1]  }
.Lfunc_end2:
_tile_overlayer_lowered:
.L_overlay_start_2:
0x1e1: {  	(tag) =	ssettag $0x2  }
0x1e2: {  	s0 =	rddreg [dreg:$0x0];
	s2 =	stileid.u32  }
0x1e3: {  	s1 =	rddreg [dreg:$0x1];
	p0 =	sne.s32 s2, $0x0  }
0x1e4: {  	s3 =	rddreg [dreg:$0x2];
	[bflag:$0x3] =	sbarrier.arrive $0xFFFF;
	s2 =	simm.s32 @!p0 $0x1C02  }
0x1e5: {  	[timem:s3], [sflag:s2] =	dma.local @!p0 [hbm:s0], s1  }
0x1e6: {  	s0 =	simm.s32 @!p0 $0x2  }
0x1e7: {  	_ =	swait.ge @!p0 [sflag:s0], s1  }
0x1e8: {  	s1 =	ssub.s32 @!p0 $0x0, s1;
	[sflag:s0] =	ssyncset.done @!p0 $0x0  }
0x1e9: {  	[sflag:s0] =	ssyncadd.s32 @!p0 s1  }
0x1ea: {  	[bflag:$0x3] =	sbarrier.arrive $0xFFFF  }
0x1eb: {  	_ =	shalt  }

</sc_bundles>
